<compile_context>
chip_gen: v7x
topology: tpu7x:2x2x1
jax: 0.10.2.dev20260603
libtpu: 0.0.44.dev20260713+nightly
codegen_flags: <defaults>
</compile_context>

<pallas_src>
import functools

import jax
import jax.numpy as jnp
from jax import lax
from jax.experimental import pallas as pl
from jax.experimental.pallas import tpu as pltpu
from jax.experimental.pallas import tpu_sc as plsc

N_NODES = 10000
N_EDGES = 320000
D = 128

NC = 2
NS = 16
NW = NC * NS

GEDGES = 128
NSET = 3
CHUNK = GEDGES
NGTOT = N_EDGES // GEDGES
NG_BASE = NGTOT // NW
NG_EXTRA = NGTOT - NG_BASE * NW
AGG_ROWS = 10000
OPT = 632
OPT_LAST = N_NODES - 15 * OPT
ZPT_LAST = AGG_ROWS - 15 * OPT

_mesh = plsc.VectorSubcoreMesh(core_axis_name="c", subcore_axis_name="s")


@functools.partial(
    pl.kernel,
    mesh=_mesh,
    out_type=jax.ShapeDtypeStruct((NC, N_NODES, D), jnp.float32),
    scratch_types=[
        pltpu.VMEM((4, CHUNK), jnp.int32),
        pltpu.VMEM((4, CHUNK), jnp.int32),
        pltpu.VMEM((NSET, CHUNK, D), jnp.float32),
        pltpu.VMEM_SHARED((AGG_ROWS, D), jnp.float32),
        pltpu.SemaphoreType.DMA((NSET,)),
        pltpu.SemaphoreType.DMA((NSET,)),
        pltpu.SemaphoreType.DMA((4,)),
        pltpu.SemaphoreType.DMA((4,)),
    ],
)
def _sc_agg(x_hbm, ei_hbm, zeros_hbm, out_hbm,
            sidx, didx, rows_v, agg_s, gsem, ssem, fsem_s, fsem_d):
    c = lax.axis_index("c")
    s = lax.axis_index("s")
    wid = c * NS + s
    ng = jnp.where(wid < NG_EXTRA, NG_BASE + 1, NG_BASE)
    gstart = NG_BASE * wid + jnp.minimum(wid, NG_EXTRA)

    def gather(g_slot, m):
        pltpu.async_copy(x_hbm.at[sidx.at[g_slot]], rows_v.at[m],
                         gsem.at[m])

    def gather_wait(g_slot, m):
        pltpu.make_async_copy(x_hbm.at[sidx.at[g_slot]], rows_v.at[m],
                              gsem.at[m]).wait()

    def scatter_start(g_slot, m):
        pltpu.async_copy(rows_v.at[m], agg_s.at[didx.at[g_slot]],
                         ssem.at[m], add=True)

    def scatter_wait(g_slot, m):
        pltpu.make_async_copy(rows_v.at[m], agg_s.at[didx.at[g_slot]],
                              ssem.at[m]).wait()

    def idx_fetch(g, slot):
        pltpu.async_copy(ei_hbm.at[0, gstart + g], sidx.at[slot],
                         fsem_s.at[slot])
        pltpu.async_copy(ei_hbm.at[1, gstart + g], didx.at[slot],
                         fsem_d.at[slot])

    def idx_wait(g, slot):
        pltpu.make_async_copy(ei_hbm.at[0, gstart + g], sidx.at[slot],
                              fsem_s.at[slot]).wait()
        pltpu.make_async_copy(ei_hbm.at[1, gstart + g], didx.at[slot],
                              fsem_d.at[slot]).wait()

    pltpu.sync_copy(ei_hbm.at[0, gstart], sidx.at[0])
    pltpu.sync_copy(ei_hbm.at[1, gstart], didx.at[0])
    idx_fetch(1, 1)
    idx_fetch(2, 2)
    gather(0, 0)

    @pl.when(s < NS - 1)
    def _():
        pltpu.sync_copy(zeros_hbm, agg_s.at[pl.ds(s * OPT, OPT)])

    @pl.when(s == NS - 1)
    def _():
        pltpu.sync_copy(zeros_hbm.at[pl.ds(0, ZPT_LAST)],
                        agg_s.at[pl.ds(15 * OPT, ZPT_LAST)])

    idx_wait(1, 1)
    gather(1, 1)
    plsc.subcore_barrier()

    def group_body(g, _):
        m = lax.rem(g, NSET)
        m2 = lax.rem(g + 2, NSET)
        sg = lax.rem(g, 4)
        sm1 = lax.rem(g + 3, 4)
        s2 = lax.rem(g + 2, 4)
        s3 = lax.rem(g + 3, 4)

        gather_wait(sg, m)
        scatter_start(sg, m)

        @pl.when(g > 0)
        def _():
            scatter_wait(sm1, m2)

        @pl.when(g + 2 < ng)
        def _():
            idx_wait(g + 2, s2)
            gather(s2, m2)

        @pl.when(g + 3 < ng)
        def _():
            idx_fetch(g + 3, s3)

        return 0

    lax.fori_loop(0, ng, group_body, 0)
    scatter_wait(lax.rem(ng - 1, 4), lax.rem(ng - 1, NSET))
    plsc.subcore_barrier()

    @pl.when(s < NS - 1)
    def _():
        pltpu.sync_copy(agg_s.at[pl.ds(s * OPT, OPT)],
                        out_hbm.at[c, pl.ds(s * OPT, OPT)])

    @pl.when(s == NS - 1)
    def _():
        pltpu.sync_copy(agg_s.at[pl.ds(15 * OPT, OPT_LAST)],
                        out_hbm.at[c, pl.ds(15 * OPT, OPT_LAST)])


BLK = 2000


def _tc_body(x_ref, a0_ref, a1_ref, w1_ref, b1_ref, w2_ref, b2_ref,
             wl_ref, bl_ref, o_ref):
    xb = x_ref[...]
    h = xb + a0_ref[0] + a1_ref[0]
    h = jnp.dot(h, w1_ref[...], preferred_element_type=jnp.float32) + b1_ref[...]
    h = jnp.maximum(h, 0.0)
    h = jnp.dot(h, w2_ref[...], preferred_element_type=jnp.float32) + b2_ref[...]
    res = jnp.dot(xb, wl_ref[...], preferred_element_type=jnp.float32) + bl_ref[...]
    o_ref[...] = res + h


def _tc_mlp(x, agg, W1, b1, W2, b2, Wl, bl):
    grid = (N_NODES // BLK,)
    row_spec = pl.BlockSpec((BLK, D), lambda i: (i, 0))
    a0_spec = pl.BlockSpec((1, BLK, D), lambda i: (0, i, 0))
    a1_spec = pl.BlockSpec((1, BLK, D), lambda i: (1, i, 0))
    w_spec = pl.BlockSpec((D, D), lambda i: (0, 0))
    b_spec = pl.BlockSpec((1, D), lambda i: (0, 0))
    return pl.pallas_call(
        _tc_body,
        grid=grid,
        in_specs=[row_spec, a0_spec, a1_spec,
                  w_spec, b_spec, w_spec, b_spec, w_spec, b_spec],
        out_specs=row_spec,
        out_shape=jax.ShapeDtypeStruct((N_NODES, D), jnp.float32),
    )(x, agg, agg, W1, b1, W2, b2, Wl, bl)


@jax.jit
def kernel(x, edge_index, W1, b1, W2, b2, Wl, bl):
    ei3 = edge_index.astype(jnp.int32).reshape(2, NGTOT, GEDGES)
    zeros = jnp.zeros((OPT, D), jnp.float32)
    agg = _sc_agg(x, ei3, zeros)
    return _tc_mlp(x, agg, W1,
                   b1.reshape(1, D), W2, b2.reshape(1, D),
                   Wl, bl.reshape(1, D))

# --- scband reference (transcript-rebuilt; emitter-appended) ---
"""Pipeline reference for scband-gin-block-40029095198815 (READ-ONLY COPY).

The authoritative reference and input builder live on the scoring server;
editing this copy changes nothing except your own understanding.
"""

import jax, jax.numpy as jnp
import numpy as np

N_NODES = 10000
N_EDGES = 320000
D_IN = 128
D_OUT = 128


def setup_inputs(seed: int = 0) -> dict:
    key = jax.random.key(seed)
    k_x, k_ei, k1, k2, k3, k4, k5, k6 = jax.random.split(key, 8)
    x = jax.random.normal(k_x, (N_NODES, D_IN), dtype=jnp.float32)
    edge_index = jax.random.randint(k_ei, (2, N_EDGES), 0, N_NODES, dtype=jnp.int64)
    # GIN MLP: Linear(i, o) -> ReLU -> Linear(o, o)
    s1 = 1.0 / np.sqrt(D_IN)
    s2 = 1.0 / np.sqrt(D_OUT)
    W1 = jax.random.uniform(k1, (D_IN, D_OUT), minval=-s1, maxval=s1, dtype=jnp.float32)
    b1 = jax.random.uniform(k2, (D_OUT,), minval=-s1, maxval=s1, dtype=jnp.float32)
    W2 = jax.random.uniform(k3, (D_OUT, D_OUT), minval=-s2, maxval=s2, dtype=jnp.float32)
    b2 = jax.random.uniform(k4, (D_OUT,), minval=-s2, maxval=s2, dtype=jnp.float32)
    # residual Linear(i, o)
    Wl = jax.random.uniform(k5, (D_IN, D_OUT), minval=-s1, maxval=s1, dtype=jnp.float32)
    bl = jax.random.uniform(k6, (D_OUT,), minval=-s1, maxval=s1, dtype=jnp.float32)
    return {"x": x, "edge_index": edge_index, "W1": W1, "b1": b1, "W2": W2, "b2": b2, "Wl": Wl, "bl": bl}


def reference(x, edge_index, W1, b1, W2, b2, Wl, bl):
    # residual branch
    res = x @ Wl + bl
    # GINConv: out = MLP((1 + eps) * x + sum_{j in N(i)} x_j), eps = 0 (default)
    src = edge_index[0]
    dst = edge_index[1]
    msgs = jnp.take(x, src, axis=0)
    agg = jax.ops.segment_sum(msgs, dst, num_segments=x.shape[0])
    h = x + agg
    h = jnp.maximum(h @ W1 + b1, 0.0)
    h = h @ W2 + b2
    return res + h

if __name__ == "__main__":
    import jax
    _d = setup_inputs()
    print(jax.jit(kernel)(*tuple(_d.values())))

</pallas_src>

<mosaic_0001>
#map = affine_map<(d0, d1) -> (0, 0)>
#map1 = affine_map<(d0, d1) -> (0, 0, 0)>
module attributes {stable_mosaic.version = 14 : i64} {
  func.func @_sc_agg(%arg0: i32, %arg1: i32, %arg2: memref<10000x128xf32, #tpu.memory_space<hbm>>, %arg3: memref<2x2500x128xi32, #tpu.memory_space<hbm>>, %arg4: memref<632x128xf32, #tpu.memory_space<hbm>>, %arg5: memref<2x10000x128xf32, #tpu.memory_space<hbm>>, %arg6: memref<4x128xi32, #tpu.memory_space<vmem>>, %arg7: memref<4x128xi32, #tpu.memory_space<vmem>>, %arg8: memref<3x128x128xf32, #tpu.memory_space<vmem>>, %arg9: memref<10000x128xf32, #tpu.memory_space<vmem_shared>>, %arg10: memref<3x!tpu.dma_semaphore, #tpu.memory_space<semaphore_mem>>, %arg11: memref<3x!tpu.dma_semaphore, #tpu.memory_space<semaphore_mem>>, %arg12: memref<4x!tpu.dma_semaphore, #tpu.memory_space<semaphore_mem>>, %arg13: memref<4x!tpu.dma_semaphore, #tpu.memory_space<semaphore_mem>>) attributes {dimension_semantics = [#tpu.dimension_semantics<core_parallel>, #tpu.dimension_semantics<subcore_parallel>], iteration_bounds = array<i64: 2, 16>, scalar_prefetch = 0 : i64, scratch_operands = 8 : i64, tpu.core_type = #tpu.core_type<sc_vector_subcore>, window_params = [{transform_indices = #map}, {transform_indices = #map1}, {transform_indices = #map}, {transform_indices = #map1}]} {
    %mul3A = arith.constant 16 : i32
    %mul3A_0 = arith.muli %arg0, %mul3A : i32
    %add3A = arith.addi %mul3A_0, %arg1 : i32
    %lt3A = arith.constant 4 : i32
    %lt3A_1 = arith.cmpi slt, %add3A, %lt3A : i32
    %jit3A = arith.constant 79 : i32
    %jit3A_2 = arith.constant 78 : i32
    %select_n3A = arith.select %lt3A_1, %jit3A, %jit3A_2 : i32
    %mul3A_3 = arith.constant 78 : i32
    %mul3A_4 = arith.muli %mul3A_3, %add3A : i32
    %min3A = arith.constant 4 : i32
    %min3A_5 = arith.minsi %add3A, %min3A : i32
    %add3A_6 = arith.addi %mul3A_4, %min3A_5 : i32
    %run_scoped3A = arith.constant 0 : i32
    %run_scoped3A_7 = arith.constant 0 : i32
    "tpu.region"() ({
      %run_scoped3A_199 = tpu.sem_alloc : memref<!tpu.dma_semaphore, #tpu.memory_space<semaphore_mem>>
      %dma_start3A_200 = arith.constant 0 : i32
      %dma_start3A_201 = tpu.memref_slice %arg6[%run_scoped3A_7, %dma_start3A_200] : memref<4x128xi32, #tpu.memory_space<vmem>> -> memref<1x128xi32, #tpu.memory_space<vmem>>
      %dma_start3A_202 = tpu.memref_squeeze %dma_start3A_201 : memref<1x128xi32, #tpu.memory_space<vmem>> -> memref<128xi32, #tpu.memory_space<vmem>>
      %dma_start3A_203 = arith.constant 0 : i32
      %dma_start3A_204 = tpu.memref_slice %arg3[%run_scoped3A, %add3A_6, %dma_start3A_203] : memref<2x2500x128xi32, #tpu.memory_space<hbm>> -> memref<1x1x128xi32, #tpu.memory_space<hbm>>
      %dma_start3A_205 = tpu.memref_squeeze %dma_start3A_204 : memref<1x1x128xi32, #tpu.memory_space<hbm>> -> memref<128xi32, #tpu.memory_space<hbm>>
      %dma_start3A_206 = arith.constant 0 : i32
      %dma_start3A_207 = tpu.memref_slice %arg6[%run_scoped3A_7, %dma_start3A_206] : memref<4x128xi32, #tpu.memory_space<vmem>> -> memref<1x128xi32, #tpu.memory_space<vmem>>
      %dma_start3A_208 = tpu.memref_squeeze %dma_start3A_207 : memref<1x128xi32, #tpu.memory_space<vmem>> -> memref<128xi32, #tpu.memory_space<vmem>>
      %dma_start3A_209 = arith.constant 0 : i32
      %dma_start3A_210 = tpu.memref_slice %arg3[%run_scoped3A, %add3A_6, %dma_start3A_209] : memref<2x2500x128xi32, #tpu.memory_space<hbm>> -> memref<1x1x128xi32, #tpu.memory_space<hbm>>
      %dma_start3A_211 = tpu.memref_squeeze %dma_start3A_210 : memref<1x1x128xi32, #tpu.memory_space<hbm>> -> memref<128xi32, #tpu.memory_space<hbm>>
      tpu.enqueue_dma source(%dma_start3A_211 : memref<128xi32, #tpu.memory_space<hbm>>) target(%dma_start3A_208 : memref<128xi32, #tpu.memory_space<vmem>>) target_semaphore(%run_scoped3A_199 : memref<!tpu.dma_semaphore, #tpu.memory_space<semaphore_mem>>)
      %dma_wait3A_212 = arith.constant 0 : i32
      %dma_wait3A_213 = tpu.memref_slice %arg6[%run_scoped3A_7, %dma_wait3A_212] : memref<4x128xi32, #tpu.memory_space<vmem>> -> memref<1x128xi32, #tpu.memory_space<vmem>>
      %dma_wait3A_214 = tpu.memref_squeeze %dma_wait3A_213 : memref<1x128xi32, #tpu.memory_space<vmem>> -> memref<128xi32, #tpu.memory_space<vmem>>
      %dma_wait3A_215 = arith.constant 0 : i32
      %dma_wait3A_216 = tpu.memref_slice %arg3[%run_scoped3A, %add3A_6, %dma_wait3A_215] : memref<2x2500x128xi32, #tpu.memory_space<hbm>> -> memref<1x1x128xi32, #tpu.memory_space<hbm>>
      %dma_wait3A_217 = tpu.memref_squeeze %dma_wait3A_216 : memref<1x1x128xi32, #tpu.memory_space<hbm>> -> memref<128xi32, #tpu.memory_space<hbm>>
      %dma_wait3A_218 = arith.constant 0 : i32
      %dma_wait3A_219 = tpu.memref_slice %arg6[%run_scoped3A_7, %dma_wait3A_218] : memref<4x128xi32, #tpu.memory_space<vmem>> -> memref<1x128xi32, #tpu.memory_space<vmem>>
      %dma_wait3A_220 = tpu.memref_squeeze %dma_wait3A_219 : memref<1x128xi32, #tpu.memory_space<vmem>> -> memref<128xi32, #tpu.memory_space<vmem>>
      %dma_wait3A_221 = arith.constant 0 : i32
      %dma_wait3A_222 = tpu.memref_slice %arg3[%run_scoped3A, %add3A_6, %dma_wait3A_221] : memref<2x2500x128xi32, #tpu.memory_space<hbm>> -> memref<1x1x128xi32, #tpu.memory_space<hbm>>
      %dma_wait3A_223 = tpu.memref_squeeze %dma_wait3A_222 : memref<1x1x128xi32, #tpu.memory_space<hbm>> -> memref<128xi32, #tpu.memory_space<hbm>>
      tpu.wait_dma2 semaphore(%run_scoped3A_199 : memref<!tpu.dma_semaphore, #tpu.memory_space<semaphore_mem>>) src(%dma_wait3A_223 : memref<128xi32, #tpu.memory_space<hbm>>) dst(%dma_wait3A_220 : memref<128xi32, #tpu.memory_space<vmem>>)
      tpu.yield
    }) : () -> ()
    %run_scoped3A_8 = arith.constant 1 : i32
    %run_scoped3A_9 = arith.constant 0 : i32
    "tpu.region"() ({
      %run_scoped3A_199 = tpu.sem_alloc : memref<!tpu.dma_semaphore, #tpu.memory_space<semaphore_mem>>
      %dma_start3A_200 = arith.constant 0 : i32
      %dma_start3A_201 = tpu.memref_slice %arg7[%run_scoped3A_9, %dma_start3A_200] : memref<4x128xi32, #tpu.memory_space<vmem>> -> memref<1x128xi32, #tpu.memory_space<vmem>>
      %dma_start3A_202 = tpu.memref_squeeze %dma_start3A_201 : memref<1x128xi32, #tpu.memory_space<vmem>> -> memref<128xi32, #tpu.memory_space<vmem>>
      %dma_start3A_203 = arith.constant 0 : i32
      %dma_start3A_204 = tpu.memref_slice %arg3[%run_scoped3A_8, %add3A_6, %dma_start3A_203] : memref<2x2500x128xi32, #tpu.memory_space<hbm>> -> memref<1x1x128xi32, #tpu.memory_space<hbm>>
      %dma_start3A_205 = tpu.memref_squeeze %dma_start3A_204 : memref<1x1x128xi32, #tpu.memory_space<hbm>> -> memref<128xi32, #tpu.memory_space<hbm>>
      %dma_start3A_206 = arith.constant 0 : i32
      %dma_start3A_207 = tpu.memref_slice %arg7[%run_scoped3A_9, %dma_start3A_206] : memref<4x128xi32, #tpu.memory_space<vmem>> -> memref<1x128xi32, #tpu.memory_space<vmem>>
      %dma_start3A_208 = tpu.memref_squeeze %dma_start3A_207 : memref<1x128xi32, #tpu.memory_space<vmem>> -> memref<128xi32, #tpu.memory_space<vmem>>
      %dma_start3A_209 = arith.constant 0 : i32
      %dma_start3A_210 = tpu.memref_slice %arg3[%run_scoped3A_8, %add3A_6, %dma_start3A_209] : memref<2x2500x128xi32, #tpu.memory_space<hbm>> -> memref<1x1x128xi32, #tpu.memory_space<hbm>>
      %dma_start3A_211 = tpu.memref_squeeze %dma_start3A_210 : memref<1x1x128xi32, #tpu.memory_space<hbm>> -> memref<128xi32, #tpu.memory_space<hbm>>
      tpu.enqueue_dma source(%dma_start3A_211 : memref<128xi32, #tpu.memory_space<hbm>>) target(%dma_start3A_208 : memref<128xi32, #tpu.memory_space<vmem>>) target_semaphore(%run_scoped3A_199 : memref<!tpu.dma_semaphore, #tpu.memory_space<semaphore_mem>>)
      %dma_wait3A_212 = arith.constant 0 : i32
      %dma_wait3A_213 = tpu.memref_slice %arg7[%run_scoped3A_9, %dma_wait3A_212] : memref<4x128xi32, #tpu.memory_space<vmem>> -> memref<1x128xi32, #tpu.memory_space<vmem>>
      %dma_wait3A_214 = tpu.memref_squeeze %dma_wait3A_213 : memref<1x128xi32, #tpu.memory_space<vmem>> -> memref<128xi32, #tpu.memory_space<vmem>>
      %dma_wait3A_215 = arith.constant 0 : i32
      %dma_wait3A_216 = tpu.memref_slice %arg3[%run_scoped3A_8, %add3A_6, %dma_wait3A_215] : memref<2x2500x128xi32, #tpu.memory_space<hbm>> -> memref<1x1x128xi32, #tpu.memory_space<hbm>>
      %dma_wait3A_217 = tpu.memref_squeeze %dma_wait3A_216 : memref<1x1x128xi32, #tpu.memory_space<hbm>> -> memref<128xi32, #tpu.memory_space<hbm>>
      %dma_wait3A_218 = arith.constant 0 : i32
      %dma_wait3A_219 = tpu.memref_slice %arg7[%run_scoped3A_9, %dma_wait3A_218] : memref<4x128xi32, #tpu.memory_space<vmem>> -> memref<1x128xi32, #tpu.memory_space<vmem>>
      %dma_wait3A_220 = tpu.memref_squeeze %dma_wait3A_219 : memref<1x128xi32, #tpu.memory_space<vmem>> -> memref<128xi32, #tpu.memory_space<vmem>>
      %dma_wait3A_221 = arith.constant 0 : i32
      %dma_wait3A_222 = tpu.memref_slice %arg3[%run_scoped3A_8, %add3A_6, %dma_wait3A_221] : memref<2x2500x128xi32, #tpu.memory_space<hbm>> -> memref<1x1x128xi32, #tpu.memory_space<hbm>>
      %dma_wait3A_223 = tpu.memref_squeeze %dma_wait3A_222 : memref<1x1x128xi32, #tpu.memory_space<hbm>> -> memref<128xi32, #tpu.memory_space<hbm>>
      tpu.wait_dma2 semaphore(%run_scoped3A_199 : memref<!tpu.dma_semaphore, #tpu.memory_space<semaphore_mem>>) src(%dma_wait3A_223 : memref<128xi32, #tpu.memory_space<hbm>>) dst(%dma_wait3A_220 : memref<128xi32, #tpu.memory_space<vmem>>)
      tpu.yield
    }) : () -> ()
    %add3A_10 = arith.constant 1 : i32
    %add3A_11 = arith.addi %add3A_6, %add3A_10 : i32
    %dma_start3A = arith.constant 0 : i32
    %dma_start3A_12 = arith.constant 1 : i32
    %dma_start3A_13 = arith.constant 1 : i32
    %dma_start3A_14 = arith.constant 0 : i32
    %dma_start3A_15 = tpu.memref_slice %arg6[%dma_start3A_12, %dma_start3A_14] : memref<4x128xi32, #tpu.memory_space<vmem>> -> memref<1x128xi32, #tpu.memory_space<vmem>>
    %dma_start3A_16 = tpu.memref_squeeze %dma_start3A_15 : memref<1x128xi32, #tpu.memory_space<vmem>> -> memref<128xi32, #tpu.memory_space<vmem>>
    %dma_start3A_17 = arith.constant 0 : i32
    %dma_start3A_18 = tpu.memref_slice %arg3[%dma_start3A, %add3A_11, %dma_start3A_17] : memref<2x2500x128xi32, #tpu.memory_space<hbm>> -> memref<1x1x128xi32, #tpu.memory_space<hbm>>
    %dma_start3A_19 = tpu.memref_squeeze %dma_start3A_18 : memref<1x1x128xi32, #tpu.memory_space<hbm>> -> memref<128xi32, #tpu.memory_space<hbm>>
    %dma_start3A_20 = tpu.memref_slice %arg12[%dma_start3A_13] : memref<4x!tpu.dma_semaphore, #tpu.memory_space<semaphore_mem>> -> memref<1x!tpu.dma_semaphore, #tpu.memory_space<semaphore_mem>>
    %dma_start3A_21 = tpu.memref_squeeze %dma_start3A_20 : memref<1x!tpu.dma_semaphore, #tpu.memory_space<semaphore_mem>> -> memref<!tpu.dma_semaphore, #tpu.memory_space<semaphore_mem>>
    %dma_start3A_22 = arith.constant 0 : i32
    %dma_start3A_23 = tpu.memref_slice %arg6[%dma_start3A_12, %dma_start3A_22] : memref<4x128xi32, #tpu.memory_space<vmem>> -> memref<1x128xi32, #tpu.memory_space<vmem>>
    %dma_start3A_24 = tpu.memref_squeeze %dma_start3A_23 : memref<1x128xi32, #tpu.memory_space<vmem>> -> memref<128xi32, #tpu.memory_space<vmem>>
    %dma_start3A_25 = arith.constant 0 : i32
    %dma_start3A_26 = tpu.memref_slice %arg3[%dma_start3A, %add3A_11, %dma_start3A_25] : memref<2x2500x128xi32, #tpu.memory_space<hbm>> -> memref<1x1x128xi32, #tpu.memory_space<hbm>>
    %dma_start3A_27 = tpu.memref_squeeze %dma_start3A_26 : memref<1x1x128xi32, #tpu.memory_space<hbm>> -> memref<128xi32, #tpu.memory_space<hbm>>
    tpu.enqueue_dma source(%dma_start3A_27 : memref<128xi32, #tpu.memory_space<hbm>>) target(%dma_start3A_24 : memref<128xi32, #tpu.memory_space<vmem>>) target_semaphore(%dma_start3A_21 : memref<!tpu.dma_semaphore, #tpu.memory_space<semaphore_mem>>)
    %add3A_28 = arith.constant 1 : i32
    %add3A_29 = arith.addi %add3A_6, %add3A_28 : i32
    %dma_start3A_30 = arith.constant 1 : i32
    %dma_start3A_31 = arith.constant 1 : i32
    %dma_start3A_32 = arith.constant 1 : i32
    %dma_start3A_33 = arith.constant 0 : i32
    %dma_start3A_34 = tpu.memref_slice %arg7[%dma_start3A_31, %dma_start3A_33] : memref<4x128xi32, #tpu.memory_space<vmem>> -> memref<1x128xi32, #tpu.memory_space<vmem>>
    %dma_start3A_35 = tpu.memref_squeeze %dma_start3A_34 : memref<1x128xi32, #tpu.memory_space<vmem>> -> memref<128xi32, #tpu.memory_space<vmem>>
    %dma_start3A_36 = arith.constant 0 : i32
    %dma_start3A_37 = tpu.memref_slice %arg3[%dma_start3A_30, %add3A_29, %dma_start3A_36] : memref<2x2500x128xi32, #tpu.memory_space<hbm>> -> memref<1x1x128xi32, #tpu.memory_space<hbm>>
    %dma_start3A_38 = tpu.memref_squeeze %dma_start3A_37 : memref<1x1x128xi32, #tpu.memory_space<hbm>> -> memref<128xi32, #tpu.memory_space<hbm>>
    %dma_start3A_39 = tpu.memref_slice %arg13[%dma_start3A_32] : memref<4x!tpu.dma_semaphore, #tpu.memory_space<semaphore_mem>> -> memref<1x!tpu.dma_semaphore, #tpu.memory_space<semaphore_mem>>
    %dma_start3A_40 = tpu.memref_squeeze %dma_start3A_39 : memref<1x!tpu.dma_semaphore, #tpu.memory_space<semaphore_mem>> -> memref<!tpu.dma_semaphore, #tpu.memory_space<semaphore_mem>>
    %dma_start3A_41 = arith.constant 0 : i32
    %dma_start3A_42 = tpu.memref_slice %arg7[%dma_start3A_31, %dma_start3A_41] : memref<4x128xi32, #tpu.memory_space<vmem>> -> memref<1x128xi32, #tpu.memory_space<vmem>>
    %dma_start3A_43 = tpu.memref_squeeze %dma_start3A_42 : memref<1x128xi32, #tpu.memory_space<vmem>> -> memref<128xi32, #tpu.memory_space<vmem>>
    %dma_start3A_44 = arith.constant 0 : i32
    %dma_start3A_45 = tpu.memref_slice %arg3[%dma_start3A_30, %add3A_29, %dma_start3A_44] : memref<2x2500x128xi32, #tpu.memory_space<hbm>> -> memref<1x1x128xi32, #tpu.memory_space<hbm>>
    %dma_start3A_46 = tpu.memref_squeeze %dma_start3A_45 : memref<1x1x128xi32, #tpu.memory_space<hbm>> -> memref<128xi32, #tpu.memory_space<hbm>>
    tpu.enqueue_dma source(%dma_start3A_46 : memref<128xi32, #tpu.memory_space<hbm>>) target(%dma_start3A_43 : memref<128xi32, #tpu.memory_space<vmem>>) target_semaphore(%dma_start3A_40 : memref<!tpu.dma_semaphore, #tpu.memory_space<semaphore_mem>>)
    %add3A_47 = arith.constant 2 : i32
    %add3A_48 = arith.addi %add3A_6, %add3A_47 : i32
    %dma_start3A_49 = arith.constant 0 : i32
    %dma_start3A_50 = arith.constant 2 : i32
    %dma_start3A_51 = arith.constant 2 : i32
    %dma_start3A_52 = arith.constant 0 : i32
    %dma_start3A_53 = tpu.memref_slice %arg6[%dma_start3A_50, %dma_start3A_52] : memref<4x128xi32, #tpu.memory_space<vmem>> -> memref<1x128xi32, #tpu.memory_space<vmem>>
    %dma_start3A_54 = tpu.memref_squeeze %dma_start3A_53 : memref<1x128xi32, #tpu.memory_space<vmem>> -> memref<128xi32, #tpu.memory_space<vmem>>
    %dma_start3A_55 = arith.constant 0 : i32
    %dma_start3A_56 = tpu.memref_slice %arg3[%dma_start3A_49, %add3A_48, %dma_start3A_55] : memref<2x2500x128xi32, #tpu.memory_space<hbm>> -> memref<1x1x128xi32, #tpu.memory_space<hbm>>
    %dma_start3A_57 = tpu.memref_squeeze %dma_start3A_56 : memref<1x1x128xi32, #tpu.memory_space<hbm>> -> memref<128xi32, #tpu.memory_space<hbm>>
    %dma_start3A_58 = tpu.memref_slice %arg12[%dma_start3A_51] : memref<4x!tpu.dma_semaphore, #tpu.memory_space<semaphore_mem>> -> memref<1x!tpu.dma_semaphore, #tpu.memory_space<semaphore_mem>>
    %dma_start3A_59 = tpu.memref_squeeze %dma_start3A_58 : memref<1x!tpu.dma_semaphore, #tpu.memory_space<semaphore_mem>> -> memref<!tpu.dma_semaphore, #tpu.memory_space<semaphore_mem>>
    %dma_start3A_60 = arith.constant 0 : i32
    %dma_start3A_61 = tpu.memref_slice %arg6[%dma_start3A_50, %dma_start3A_60] : memref<4x128xi32, #tpu.memory_space<vmem>> -> memref<1x128xi32, #tpu.memory_space<vmem>>
    %dma_start3A_62 = tpu.memref_squeeze %dma_start3A_61 : memref<1x128xi32, #tpu.memory_space<vmem>> -> memref<128xi32, #tpu.memory_space<vmem>>
    %dma_start3A_63 = arith.constant 0 : i32
    %dma_start3A_64 = tpu.memref_slice %arg3[%dma_start3A_49, %add3A_48, %dma_start3A_63] : memref<2x2500x128xi32, #tpu.memory_space<hbm>> -> memref<1x1x128xi32, #tpu.memory_space<hbm>>
    %dma_start3A_65 = tpu.memref_squeeze %dma_start3A_64 : memref<1x1x128xi32, #tpu.memory_space<hbm>> -> memref<128xi32, #tpu.memory_space<hbm>>
    tpu.enqueue_dma source(%dma_start3A_65 : memref<128xi32, #tpu.memory_space<hbm>>) target(%dma_start3A_62 : memref<128xi32, #tpu.memory_space<vmem>>) target_semaphore(%dma_start3A_59 : memref<!tpu.dma_semaphore, #tpu.memory_space<semaphore_mem>>)
    %add3A_66 = arith.constant 2 : i32
    %add3A_67 = arith.addi %add3A_6, %add3A_66 : i32
    %dma_start3A_68 = arith.constant 1 : i32
    %dma_start3A_69 = arith.constant 2 : i32
    %dma_start3A_70 = arith.constant 2 : i32
    %dma_start3A_71 = arith.constant 0 : i32
    %dma_start3A_72 = tpu.memref_slice %arg7[%dma_start3A_69, %dma_start3A_71] : memref<4x128xi32, #tpu.memory_space<vmem>> -> memref<1x128xi32, #tpu.memory_space<vmem>>
    %dma_start3A_73 = tpu.memref_squeeze %dma_start3A_72 : memref<1x128xi32, #tpu.memory_space<vmem>> -> memref<128xi32, #tpu.memory_space<vmem>>
    %dma_start3A_74 = arith.constant 0 : i32
    %dma_start3A_75 = tpu.memref_slice %arg3[%dma_start3A_68, %add3A_67, %dma_start3A_74] : memref<2x2500x128xi32, #tpu.memory_space<hbm>> -> memref<1x1x128xi32, #tpu.memory_space<hbm>>
    %dma_start3A_76 = tpu.memref_squeeze %dma_start3A_75 : memref<1x1x128xi32, #tpu.memory_space<hbm>> -> memref<128xi32, #tpu.memory_space<hbm>>
    %dma_start3A_77 = tpu.memref_slice %arg13[%dma_start3A_70] : memref<4x!tpu.dma_semaphore, #tpu.memory_space<semaphore_mem>> -> memref<1x!tpu.dma_semaphore, #tpu.memory_space<semaphore_mem>>
    %dma_start3A_78 = tpu.memref_squeeze %dma_start3A_77 : memref<1x!tpu.dma_semaphore, #tpu.memory_space<semaphore_mem>> -> memref<!tpu.dma_semaphore, #tpu.memory_space<semaphore_mem>>
    %dma_start3A_79 = arith.constant 0 : i32
    %dma_start3A_80 = tpu.memref_slice %arg7[%dma_start3A_69, %dma_start3A_79] : memref<4x128xi32, #tpu.memory_space<vmem>> -> memref<1x128xi32, #tpu.memory_space<vmem>>
    %dma_start3A_81 = tpu.memref_squeeze %dma_start3A_80 : memref<1x128xi32, #tpu.memory_space<vmem>> -> memref<128xi32, #tpu.memory_space<vmem>>
    %dma_start3A_82 = arith.constant 0 : i32
    %dma_start3A_83 = tpu.memref_slice %arg3[%dma_start3A_68, %add3A_67, %dma_start3A_82] : memref<2x2500x128xi32, #tpu.memory_space<hbm>> -> memref<1x1x128xi32, #tpu.memory_space<hbm>>
    %dma_start3A_84 = tpu.memref_squeeze %dma_start3A_83 : memref<1x1x128xi32, #tpu.memory_space<hbm>> -> memref<128xi32, #tpu.memory_space<hbm>>
    tpu.enqueue_dma source(%dma_start3A_84 : memref<128xi32, #tpu.memory_space<hbm>>) target(%dma_start3A_81 : memref<128xi32, #tpu.memory_space<vmem>>) target_semaphore(%dma_start3A_78 : memref<!tpu.dma_semaphore, #tpu.memory_space<semaphore_mem>>)
    %dma_start3A_85 = arith.constant 0 : i32
    %dma_start3A_86 = arith.constant 0 : i32
    %dma_start3A_87 = arith.constant 0 : i32
    %dma_start3A_88 = arith.constant 0 : i32
    %dma_start3A_89 = arith.constant 0 : i32
    %dma_start3A_90 = tpu.memref_slice %arg8[%dma_start3A_86, %dma_start3A_88, %dma_start3A_89] : memref<3x128x128xf32, #tpu.memory_space<vmem>> -> memref<1x128x128xf32, #tpu.memory_space<vmem>>
    %dma_start3A_91 = tpu.memref_squeeze %dma_start3A_90 : memref<1x128x128xf32, #tpu.memory_space<vmem>> -> memref<128x128xf32, #tpu.memory_space<vmem>>
    %dma_start3A_92 = arith.constant 0 : i32
    %dma_start3A_93 = tpu.memref_slice %arg6[%dma_start3A_85, %dma_start3A_92] : memref<4x128xi32, #tpu.memory_space<vmem>> -> memref<1x128xi32, #tpu.memory_space<vmem>>
    %dma_start3A_94 = tpu.memref_squeeze %dma_start3A_93 : memref<1x128xi32, #tpu.memory_space<vmem>> -> memref<128xi32, #tpu.memory_space<vmem>>
    %dma_start3A_95 = arith.constant 0 : i32
    %dma_start3A_96 = arith.constant 0 : i32
    %dma_start3A_97 = tpu.memref_slice %arg2[%dma_start3A_95, %dma_start3A_96] : memref<10000x128xf32, #tpu.memory_space<hbm>> -> memref<10000x128xf32, #tpu.memory_space<hbm>>
    %dma_start3A_98 = tpu.memref_slice %arg10[%dma_start3A_87] : memref<3x!tpu.dma_semaphore, #tpu.memory_space<semaphore_mem>> -> memref<1x!tpu.dma_semaphore, #tpu.memory_space<semaphore_mem>>
    %dma_start3A_99 = tpu.memref_squeeze %dma_start3A_98 : memref<1x!tpu.dma_semaphore, #tpu.memory_space<semaphore_mem>> -> memref<!tpu.dma_semaphore, #tpu.memory_space<semaphore_mem>>
    tpu.enqueue_indirect_dma source(%dma_start3A_97 : memref<10000x128xf32, #tpu.memory_space<hbm>>) target(%dma_start3A_91 : memref<128x128xf32, #tpu.memory_space<vmem>>) offsets(%dma_start3A_94 : memref<128xi32, #tpu.memory_space<vmem>>) semaphore(%dma_start3A_99 : memref<!tpu.dma_semaphore, #tpu.memory_space<semaphore_mem>>)
    %lt3A_100 = arith.constant 15 : i32
    %lt3A_101 = arith.cmpi slt, %arg1, %lt3A_100 : i32
    %convert_element_type3A = arith.extui %lt3A_101 : i1 to i32
    %cond3A = arith.constant 0 : i32
    %cond3A_102 = arith.cmpi ne, %convert_element_type3A, %cond3A : i32
    scf.if %cond3A_102 {
      %mul3A_199 = arith.constant 632 : i32
      %mul3A_200 = arith.muli %arg1, %mul3A_199 : i32
      "tpu.region"() ({
        %run_scoped3A_201 = tpu.sem_alloc : memref<!tpu.dma_semaphore, #tpu.memory_space<semaphore_mem>>
        %dma_start3A_202 = arith.constant 0 : i32
        %dma_start3A_203 = tpu.memref_slice %arg9[%mul3A_200, %dma_start3A_202] : memref<10000x128xf32, #tpu.memory_space<vmem_shared>> -> memref<632x128xf32, #tpu.memory_space<vmem_shared>>
        tpu.enqueue_dma source(%arg4 : memref<632x128xf32, #tpu.memory_space<hbm>>) target(%dma_start3A_203 : memref<632x128xf32, #tpu.memory_space<vmem_shared>>) target_semaphore(%run_scoped3A_201 : memref<!tpu.dma_semaphore, #tpu.memory_space<semaphore_mem>>)
        %dma_wait3A_204 = arith.constant 0 : i32
        %dma_wait3A_205 = tpu.memref_slice %arg9[%mul3A_200, %dma_wait3A_204] : memref<10000x128xf32, #tpu.memory_space<vmem_shared>> -> memref<632x128xf32, #tpu.memory_space<vmem_shared>>
        tpu.wait_dma2 semaphore(%run_scoped3A_201 : memref<!tpu.dma_semaphore, #tpu.memory_space<semaphore_mem>>) src(%arg4 : memref<632x128xf32, #tpu.memory_space<hbm>>) dst(%dma_wait3A_205 : memref<632x128xf32, #tpu.memory_space<vmem_shared>>)
        tpu.yield
      }) : () -> ()
    } else {
    }
    %eq3A = arith.constant 15 : i32
    %eq3A_103 = arith.cmpi eq, %arg1, %eq3A : i32
    %convert_element_type3A_104 = arith.extui %eq3A_103 : i1 to i32
    %cond3A_105 = arith.constant 0 : i32
    %cond3A_106 = arith.cmpi ne, %convert_element_type3A_104, %cond3A_105 : i32
    scf.if %cond3A_106 {
      "tpu.region"() ({
        %run_scoped3A_199 = tpu.sem_alloc : memref<!tpu.dma_semaphore, #tpu.memory_space<semaphore_mem>>
        %dma_start3A_200 = arith.constant 9480 : i32
        %dma_start3A_201 = arith.constant 0 : i32
        %dma_start3A_202 = tpu.memref_slice %arg9[%dma_start3A_200, %dma_start3A_201] : memref<10000x128xf32, #tpu.memory_space<vmem_shared>> -> memref<520x128xf32, #tpu.memory_space<vmem_shared>>
        %dma_start3A_203 = arith.constant 0 : i32
        %dma_start3A_204 = arith.constant 0 : i32
        %dma_start3A_205 = tpu.memref_slice %arg4[%dma_start3A_203, %dma_start3A_204] : memref<632x128xf32, #tpu.memory_space<hbm>> -> memref<520x128xf32, #tpu.memory_space<hbm>>
        tpu.enqueue_dma source(%dma_start3A_205 : memref<520x128xf32, #tpu.memory_space<hbm>>) target(%dma_start3A_202 : memref<520x128xf32, #tpu.memory_space<vmem_shared>>) target_semaphore(%run_scoped3A_199 : memref<!tpu.dma_semaphore, #tpu.memory_space<semaphore_mem>>)
        %dma_wait3A_206 = arith.constant 9480 : i32
        %dma_wait3A_207 = arith.constant 0 : i32
        %dma_wait3A_208 = tpu.memref_slice %arg9[%dma_wait3A_206, %dma_wait3A_207] : memref<10000x128xf32, #tpu.memory_space<vmem_shared>> -> memref<520x128xf32, #tpu.memory_space<vmem_shared>>
        %dma_wait3A_209 = arith.constant 0 : i32
        %dma_wait3A_210 = arith.constant 0 : i32
        %dma_wait3A_211 = tpu.memref_slice %arg4[%dma_wait3A_209, %dma_wait3A_210] : memref<632x128xf32, #tpu.memory_space<hbm>> -> memref<520x128xf32, #tpu.memory_space<hbm>>
        tpu.wait_dma2 semaphore(%run_scoped3A_199 : memref<!tpu.dma_semaphore, #tpu.memory_space<semaphore_mem>>) src(%dma_wait3A_211 : memref<520x128xf32, #tpu.memory_space<hbm>>) dst(%dma_wait3A_208 : memref<520x128xf32, #tpu.memory_space<vmem_shared>>)
        tpu.yield
      }) : () -> ()
    } else {
    }
    %add3A_107 = arith.constant 1 : i32
    %add3A_108 = arith.addi %add3A_6, %add3A_107 : i32
    %dma_wait3A = arith.constant 0 : i32
    %dma_wait3A_109 = arith.constant 1 : i32
    %dma_wait3A_110 = arith.constant 1 : i32
    %dma_wait3A_111 = arith.constant 0 : i32
    %dma_wait3A_112 = tpu.memref_slice %arg6[%dma_wait3A_109, %dma_wait3A_111] : memref<4x128xi32, #tpu.memory_space<vmem>> -> memref<1x128xi32, #tpu.memory_space<vmem>>
    %dma_wait3A_113 = tpu.memref_squeeze %dma_wait3A_112 : memref<1x128xi32, #tpu.memory_space<vmem>> -> memref<128xi32, #tpu.memory_space<vmem>>
    %dma_wait3A_114 = arith.constant 0 : i32
    %dma_wait3A_115 = tpu.memref_slice %arg3[%dma_wait3A, %add3A_108, %dma_wait3A_114] : memref<2x2500x128xi32, #tpu.memory_space<hbm>> -> memref<1x1x128xi32, #tpu.memory_space<hbm>>
    %dma_wait3A_116 = tpu.memref_squeeze %dma_wait3A_115 : memref<1x1x128xi32, #tpu.memory_space<hbm>> -> memref<128xi32, #tpu.memory_space<hbm>>
    %dma_wait3A_117 = tpu.memref_slice %arg12[%dma_wait3A_110] : memref<4x!tpu.dma_semaphore, #tpu.memory_space<semaphore_mem>> -> memref<1x!tpu.dma_semaphore, #tpu.memory_space<semaphore_mem>>
    %dma_wait3A_118 = tpu.memref_squeeze %dma_wait3A_117 : memref<1x!tpu.dma_semaphore, #tpu.memory_space<semaphore_mem>> -> memref<!tpu.dma_semaphore, #tpu.memory_space<semaphore_mem>>
    %dma_wait3A_119 = arith.constant 0 : i32
    %dma_wait3A_120 = tpu.memref_slice %arg6[%dma_wait3A_109, %dma_wait3A_119] : memref<4x128xi32, #tpu.memory_space<vmem>> -> memref<1x128xi32, #tpu.memory_space<vmem>>
    %dma_wait3A_121 = tpu.memref_squeeze %dma_wait3A_120 : memref<1x128xi32, #tpu.memory_space<vmem>> -> memref<128xi32, #tpu.memory_space<vmem>>
    %dma_wait3A_122 = arith.constant 0 : i32
    %dma_wait3A_123 = tpu.memref_slice %arg3[%dma_wait3A, %add3A_108, %dma_wait3A_122] : memref<2x2500x128xi32, #tpu.memory_space<hbm>> -> memref<1x1x128xi32, #tpu.memory_space<hbm>>
    %dma_wait3A_124 = tpu.memref_squeeze %dma_wait3A_123 : memref<1x1x128xi32, #tpu.memory_space<hbm>> -> memref<128xi32, #tpu.memory_space<hbm>>
    tpu.wait_dma2 semaphore(%dma_wait3A_118 : memref<!tpu.dma_semaphore, #tpu.memory_space<semaphore_mem>>) src(%dma_wait3A_124 : memref<128xi32, #tpu.memory_space<hbm>>) dst(%dma_wait3A_121 : memref<128xi32, #tpu.memory_space<vmem>>)
    %add3A_125 = arith.constant 1 : i32
    %add3A_126 = arith.addi %add3A_6, %add3A_125 : i32
    %dma_wait3A_127 = arith.constant 1 : i32
    %dma_wait3A_128 = arith.constant 1 : i32
    %dma_wait3A_129 = arith.constant 1 : i32
    %dma_wait3A_130 = arith.constant 0 : i32
    %dma_wait3A_131 = tpu.memref_slice %arg7[%dma_wait3A_128, %dma_wait3A_130] : memref<4x128xi32, #tpu.memory_space<vmem>> -> memref<1x128xi32, #tpu.memory_space<vmem>>
    %dma_wait3A_132 = tpu.memref_squeeze %dma_wait3A_131 : memref<1x128xi32, #tpu.memory_space<vmem>> -> memref<128xi32, #tpu.memory_space<vmem>>
    %dma_wait3A_133 = arith.constant 0 : i32
    %dma_wait3A_134 = tpu.memref_slice %arg3[%dma_wait3A_127, %add3A_126, %dma_wait3A_133] : memref<2x2500x128xi32, #tpu.memory_space<hbm>> -> memref<1x1x128xi32, #tpu.memory_space<hbm>>
    %dma_wait3A_135 = tpu.memref_squeeze %dma_wait3A_134 : memref<1x1x128xi32, #tpu.memory_space<hbm>> -> memref<128xi32, #tpu.memory_space<hbm>>
    %dma_wait3A_136 = tpu.memref_slice %arg13[%dma_wait3A_129] : memref<4x!tpu.dma_semaphore, #tpu.memory_space<semaphore_mem>> -> memref<1x!tpu.dma_semaphore, #tpu.memory_space<semaphore_mem>>
    %dma_wait3A_137 = tpu.memref_squeeze %dma_wait3A_136 : memref<1x!tpu.dma_semaphore, #tpu.memory_space<semaphore_mem>> -> memref<!tpu.dma_semaphore, #tpu.memory_space<semaphore_mem>>
    %dma_wait3A_138 = arith.constant 0 : i32
    %dma_wait3A_139 = tpu.memref_slice %arg7[%dma_wait3A_128, %dma_wait3A_138] : memref<4x128xi32, #tpu.memory_space<vmem>> -> memref<1x128xi32, #tpu.memory_space<vmem>>
    %dma_wait3A_140 = tpu.memref_squeeze %dma_wait3A_139 : memref<1x128xi32, #tpu.memory_space<vmem>> -> memref<128xi32, #tpu.memory_space<vmem>>
    %dma_wait3A_141 = arith.constant 0 : i32
    %dma_wait3A_142 = tpu.memref_slice %arg3[%dma_wait3A_127, %add3A_126, %dma_wait3A_141] : memref<2x2500x128xi32, #tpu.memory_space<hbm>> -> memref<1x1x128xi32, #tpu.memory_space<hbm>>
    %dma_wait3A_143 = tpu.memref_squeeze %dma_wait3A_142 : memref<1x1x128xi32, #tpu.memory_space<hbm>> -> memref<128xi32, #tpu.memory_space<hbm>>
    tpu.wait_dma2 semaphore(%dma_wait3A_137 : memref<!tpu.dma_semaphore, #tpu.memory_space<semaphore_mem>>) src(%dma_wait3A_143 : memref<128xi32, #tpu.memory_space<hbm>>) dst(%dma_wait3A_140 : memref<128xi32, #tpu.memory_space<vmem>>)
    %dma_start3A_144 = arith.constant 1 : i32
    %dma_start3A_145 = arith.constant 1 : i32
    %dma_start3A_146 = arith.constant 1 : i32
    %dma_start3A_147 = arith.constant 0 : i32
    %dma_start3A_148 = arith.constant 0 : i32
    %dma_start3A_149 = tpu.memref_slice %arg8[%dma_start3A_145, %dma_start3A_147, %dma_start3A_148] : memref<3x128x128xf32, #tpu.memory_space<vmem>> -> memref<1x128x128xf32, #tpu.memory_space<vmem>>
    %dma_start3A_150 = tpu.memref_squeeze %dma_start3A_149 : memref<1x128x128xf32, #tpu.memory_space<vmem>> -> memref<128x128xf32, #tpu.memory_space<vmem>>
    %dma_start3A_151 = arith.constant 0 : i32
    %dma_start3A_152 = tpu.memref_slice %arg6[%dma_start3A_144, %dma_start3A_151] : memref<4x128xi32, #tpu.memory_space<vmem>> -> memref<1x128xi32, #tpu.memory_space<vmem>>
    %dma_start3A_153 = tpu.memref_squeeze %dma_start3A_152 : memref<1x128xi32, #tpu.memory_space<vmem>> -> memref<128xi32, #tpu.memory_space<vmem>>
    %dma_start3A_154 = arith.constant 0 : i32
    %dma_start3A_155 = arith.constant 0 : i32
    %dma_start3A_156 = tpu.memref_slice %arg2[%dma_start3A_154, %dma_start3A_155] : memref<10000x128xf32, #tpu.memory_space<hbm>> -> memref<10000x128xf32, #tpu.memory_space<hbm>>
    %dma_start3A_157 = tpu.memref_slice %arg10[%dma_start3A_146] : memref<3x!tpu.dma_semaphore, #tpu.memory_space<semaphore_mem>> -> memref<1x!tpu.dma_semaphore, #tpu.memory_space<semaphore_mem>>
    %dma_start3A_158 = tpu.memref_squeeze %dma_start3A_157 : memref<1x!tpu.dma_semaphore, #tpu.memory_space<semaphore_mem>> -> memref<!tpu.dma_semaphore, #tpu.memory_space<semaphore_mem>>
    tpu.enqueue_indirect_dma source(%dma_start3A_156 : memref<10000x128xf32, #tpu.memory_space<hbm>>) target(%dma_start3A_150 : memref<128x128xf32, #tpu.memory_space<vmem>>) offsets(%dma_start3A_153 : memref<128xi32, #tpu.memory_space<vmem>>) semaphore(%dma_start3A_158 : memref<!tpu.dma_semaphore, #tpu.memory_space<semaphore_mem>>)
    %barrier3A = arith.constant 0 : index
    tpu.barrier barrier_id(%barrier3A)
    %while3A = arith.constant 0 : i32
    %while3A_159 = arith.constant 0 : i32
    %while3A_160 = arith.subi %select_n3A, %while3A : i32
    %while3A_161 = arith.addi %while3A, %while3A_160 : i32
    %while3A_162 = arith.constant 1 : i32
    %while3A_163 = arith.divsi %while3A_160, %while3A_162 : i32
    %while3A_164 = arith.muli %while3A_163, %while3A_162 : i32
    %while3A_165 = arith.addi %while3A, %while3A_164 : i32
    %while3A_166 = arith.constant 1 : i32
    %while3A_167 = scf.for %while3A_199 = %while3A to %while3A_165 step %while3A_166 iter_args(%while3A_200 = %while3A_159) -> (i32)  : i32 {
      %rem3A_201 = arith.constant 3 : i32
      %rem3A_202 = arith.remsi %while3A_199, %rem3A_201 : i32
      %add3A_203 = arith.constant 2 : i32
      %add3A_204 = arith.addi %while3A_199, %add3A_203 : i32
      %rem3A_205 = arith.constant 3 : i32
      %rem3A_206 = arith.remsi %add3A_204, %rem3A_205 : i32
      %rem3A_207 = arith.constant 4 : i32
      %rem3A_208 = arith.remsi %while3A_199, %rem3A_207 : i32
      %add3A_209 = arith.constant 3 : i32
      %add3A_210 = arith.addi %while3A_199, %add3A_209 : i32
      %rem3A_211 = arith.constant 4 : i32
      %rem3A_212 = arith.remsi %add3A_210, %rem3A_211 : i32
      %add3A_213 = arith.constant 2 : i32
      %add3A_214 = arith.addi %while3A_199, %add3A_213 : i32
      %rem3A_215 = arith.constant 4 : i32
      %rem3A_216 = arith.remsi %add3A_214, %rem3A_215 : i32
      %add3A_217 = arith.constant 3 : i32
      %add3A_218 = arith.addi %while3A_199, %add3A_217 : i32
      %rem3A_219 = arith.constant 4 : i32
      %rem3A_220 = arith.remsi %add3A_218, %rem3A_219 : i32
      %dma_wait3A_221 = arith.constant 0 : i32
      %dma_wait3A_222 = arith.constant 0 : i32
      %dma_wait3A_223 = tpu.memref_slice %arg8[%rem3A_202, %dma_wait3A_221, %dma_wait3A_222] : memref<3x128x128xf32, #tpu.memory_space<vmem>> -> memref<1x128x128xf32, #tpu.memory_space<vmem>>
      %dma_wait3A_224 = tpu.memref_squeeze %dma_wait3A_223 : memref<1x128x128xf32, #tpu.memory_space<vmem>> -> memref<128x128xf32, #tpu.memory_space<vmem>>
      %dma_wait3A_225 = arith.constant 0 : i32
      %dma_wait3A_226 = tpu.memref_slice %arg6[%rem3A_208, %dma_wait3A_225] : memref<4x128xi32, #tpu.memory_space<vmem>> -> memref<1x128xi32, #tpu.memory_space<vmem>>
      %dma_wait3A_227 = tpu.memref_squeeze %dma_wait3A_226 : memref<1x128xi32, #tpu.memory_space<vmem>> -> memref<128xi32, #tpu.memory_space<vmem>>
      %dma_wait3A_228 = arith.constant 0 : i32
      %dma_wait3A_229 = arith.constant 0 : i32
      %dma_wait3A_230 = tpu.memref_slice %arg2[%dma_wait3A_228, %dma_wait3A_229] : memref<10000x128xf32, #tpu.memory_space<hbm>> -> memref<10000x128xf32, #tpu.memory_space<hbm>>
      %dma_wait3A_231 = tpu.memref_slice %arg10[%rem3A_202] : memref<3x!tpu.dma_semaphore, #tpu.memory_space<semaphore_mem>> -> memref<1x!tpu.dma_semaphore, #tpu.memory_space<semaphore_mem>>
      %dma_wait3A_232 = tpu.memref_squeeze %dma_wait3A_231 : memref<1x!tpu.dma_semaphore, #tpu.memory_space<semaphore_mem>> -> memref<!tpu.dma_semaphore, #tpu.memory_space<semaphore_mem>>
      tpu.wait_indirect_dma semaphore(%dma_wait3A_232 : memref<!tpu.dma_semaphore, #tpu.memory_space<semaphore_mem>>) src(%dma_wait3A_230 : memref<10000x128xf32, #tpu.memory_space<hbm>>) dst(%dma_wait3A_224 : memref<128x128xf32, #tpu.memory_space<vmem>>)
      %dma_start3A_233 = arith.constant 0 : i32
      %dma_start3A_234 = arith.constant 0 : i32
      %dma_start3A_235 = tpu.memref_slice %arg8[%rem3A_202, %dma_start3A_233, %dma_start3A_234] : memref<3x128x128xf32, #tpu.memory_space<vmem>> -> memref<1x128x128xf32, #tpu.memory_space<vmem>>
      %dma_start3A_236 = tpu.memref_squeeze %dma_start3A_235 : memref<1x128x128xf32, #tpu.memory_space<vmem>> -> memref<128x128xf32, #tpu.memory_space<vmem>>
      %dma_start3A_237 = arith.constant 0 : i32
      %dma_start3A_238 = tpu.memref_slice %arg7[%rem3A_208, %dma_start3A_237] : memref<4x128xi32, #tpu.memory_space<vmem>> -> memref<1x128xi32, #tpu.memory_space<vmem>>
      %dma_start3A_239 = tpu.memref_squeeze %dma_start3A_238 : memref<1x128xi32, #tpu.memory_space<vmem>> -> memref<128xi32, #tpu.memory_space<vmem>>
      %dma_start3A_240 = arith.constant 0 : i32
      %dma_start3A_241 = arith.constant 0 : i32
      %dma_start3A_242 = tpu.memref_slice %arg9[%dma_start3A_240, %dma_start3A_241] : memref<10000x128xf32, #tpu.memory_space<vmem_shared>> -> memref<10000x128xf32, #tpu.memory_space<vmem_shared>>
      %dma_start3A_243 = tpu.memref_slice %arg11[%rem3A_202] : memref<3x!tpu.dma_semaphore, #tpu.memory_space<semaphore_mem>> -> memref<1x!tpu.dma_semaphore, #tpu.memory_space<semaphore_mem>>
      %dma_start3A_244 = tpu.memref_squeeze %dma_start3A_243 : memref<1x!tpu.dma_semaphore, #tpu.memory_space<semaphore_mem>> -> memref<!tpu.dma_semaphore, #tpu.memory_space<semaphore_mem>>
      tpu.enqueue_indirect_dma source(%dma_start3A_236 : memref<128x128xf32, #tpu.memory_space<vmem>>) target(%dma_start3A_242 : memref<10000x128xf32, #tpu.memory_space<vmem_shared>>) offsets(%dma_start3A_239 : memref<128xi32, #tpu.memory_space<vmem>>) semaphore(%dma_start3A_244 : memref<!tpu.dma_semaphore, #tpu.memory_space<semaphore_mem>>) {add = true}
      %gt3A = arith.constant 0 : i32
      %gt3A_245 = arith.cmpi sgt, %while3A_199, %gt3A : i32
      %convert_element_type3A_246 = arith.extui %gt3A_245 : i1 to i32
      %cond3A_247 = arith.constant 0 : i32
      %cond3A_248 = arith.cmpi ne, %convert_element_type3A_246, %cond3A_247 : i32
      scf.if %cond3A_248 {
        %dma_wait3A_262 = arith.constant 0 : i32
        %dma_wait3A_263 = arith.constant 0 : i32
        %dma_wait3A_264 = tpu.memref_slice %arg8[%rem3A_206, %dma_wait3A_262, %dma_wait3A_263] : memref<3x128x128xf32, #tpu.memory_space<vmem>> -> memref<1x128x128xf32, #tpu.memory_space<vmem>>
        %dma_wait3A_265 = tpu.memref_squeeze %dma_wait3A_264 : memref<1x128x128xf32, #tpu.memory_space<vmem>> -> memref<128x128xf32, #tpu.memory_space<vmem>>
        %dma_wait3A_266 = arith.constant 0 : i32
        %dma_wait3A_267 = tpu.memref_slice %arg7[%rem3A_212, %dma_wait3A_266] : memref<4x128xi32, #tpu.memory_space<vmem>> -> memref<1x128xi32, #tpu.memory_space<vmem>>
        %dma_wait3A_268 = tpu.memref_squeeze %dma_wait3A_267 : memref<1x128xi32, #tpu.memory_space<vmem>> -> memref<128xi32, #tpu.memory_space<vmem>>
        %dma_wait3A_269 = arith.constant 0 : i32
        %dma_wait3A_270 = arith.constant 0 : i32
        %dma_wait3A_271 = tpu.memref_slice %arg9[%dma_wait3A_269, %dma_wait3A_270] : memref<10000x128xf32, #tpu.memory_space<vmem_shared>> -> memref<10000x128xf32, #tpu.memory_space<vmem_shared>>
        %dma_wait3A_272 = tpu.memref_slice %arg11[%rem3A_206] : memref<3x!tpu.dma_semaphore, #tpu.memory_space<semaphore_mem>> -> memref<1x!tpu.dma_semaphore, #tpu.memory_space<semaphore_mem>>
        %dma_wait3A_273 = tpu.memref_squeeze %dma_wait3A_272 : memref<1x!tpu.dma_semaphore, #tpu.memory_space<semaphore_mem>> -> memref<!tpu.dma_semaphore, #tpu.memory_space<semaphore_mem>>
        tpu.wait_indirect_dma semaphore(%dma_wait3A_273 : memref<!tpu.dma_semaphore, #tpu.memory_space<semaphore_mem>>) src(%dma_wait3A_265 : memref<128x128xf32, #tpu.memory_space<vmem>>) dst(%dma_wait3A_271 : memref<10000x128xf32, #tpu.memory_space<vmem_shared>>)
      } else {
      }
      %add3A_249 = arith.constant 2 : i32
      %add3A_250 = arith.addi %while3A_199, %add3A_249 : i32
      %lt3A_251 = arith.cmpi slt, %add3A_250, %select_n3A : i32
      %convert_element_type3A_252 = arith.extui %lt3A_251 : i1 to i32
      %cond3A_253 = arith.constant 0 : i32
      %cond3A_254 = arith.cmpi ne, %convert_element_type3A_252, %cond3A_253 : i32
      scf.if %cond3A_254 {
        %add3A_262 = arith.constant 2 : i32
        %add3A_263 = arith.addi %while3A_199, %add3A_262 : i32
        %add3A_264 = arith.addi %add3A_6, %add3A_263 : i32
        %dma_wait3A_265 = arith.constant 0 : i32
        %dma_wait3A_266 = arith.constant 0 : i32
        %dma_wait3A_267 = tpu.memref_slice %arg6[%rem3A_216, %dma_wait3A_266] : memref<4x128xi32, #tpu.memory_space<vmem>> -> memref<1x128xi32, #tpu.memory_space<vmem>>
        %dma_wait3A_268 = tpu.memref_squeeze %dma_wait3A_267 : memref<1x128xi32, #tpu.memory_space<vmem>> -> memref<128xi32, #tpu.memory_space<vmem>>
        %dma_wait3A_269 = arith.constant 0 : i32
        %dma_wait3A_270 = tpu.memref_slice %arg3[%dma_wait3A_265, %add3A_264, %dma_wait3A_269] : memref<2x2500x128xi32, #tpu.memory_space<hbm>> -> memref<1x1x128xi32, #tpu.memory_space<hbm>>
        %dma_wait3A_271 = tpu.memref_squeeze %dma_wait3A_270 : memref<1x1x128xi32, #tpu.memory_space<hbm>> -> memref<128xi32, #tpu.memory_space<hbm>>
        %dma_wait3A_272 = tpu.memref_slice %arg12[%rem3A_216] : memref<4x!tpu.dma_semaphore, #tpu.memory_space<semaphore_mem>> -> memref<1x!tpu.dma_semaphore, #tpu.memory_space<semaphore_mem>>
        %dma_wait3A_273 = tpu.memref_squeeze %dma_wait3A_272 : memref<1x!tpu.dma_semaphore, #tpu.memory_space<semaphore_mem>> -> memref<!tpu.dma_semaphore, #tpu.memory_space<semaphore_mem>>
        %dma_wait3A_274 = arith.constant 0 : i32
        %dma_wait3A_275 = tpu.memref_slice %arg6[%rem3A_216, %dma_wait3A_274] : memref<4x128xi32, #tpu.memory_space<vmem>> -> memref<1x128xi32, #tpu.memory_space<vmem>>
        %dma_wait3A_276 = tpu.memref_squeeze %dma_wait3A_275 : memref<1x128xi32, #tpu.memory_space<vmem>> -> memref<128xi32, #tpu.memory_space<vmem>>
        %dma_wait3A_277 = arith.constant 0 : i32
        %dma_wait3A_278 = tpu.memref_slice %arg3[%dma_wait3A_265, %add3A_264, %dma_wait3A_277] : memref<2x2500x128xi32, #tpu.memory_space<hbm>> -> memref<1x1x128xi32, #tpu.memory_space<hbm>>
        %dma_wait3A_279 = tpu.memref_squeeze %dma_wait3A_278 : memref<1x1x128xi32, #tpu.memory_space<hbm>> -> memref<128xi32, #tpu.memory_space<hbm>>
        tpu.wait_dma2 semaphore(%dma_wait3A_273 : memref<!tpu.dma_semaphore, #tpu.memory_space<semaphore_mem>>) src(%dma_wait3A_279 : memref<128xi32, #tpu.memory_space<hbm>>) dst(%dma_wait3A_276 : memref<128xi32, #tpu.memory_space<vmem>>)
        %add3A_280 = arith.addi %add3A_6, %add3A_263 : i32
        %dma_wait3A_281 = arith.constant 1 : i32
        %dma_wait3A_282 = arith.constant 0 : i32
        %dma_wait3A_283 = tpu.memref_slice %arg7[%rem3A_216, %dma_wait3A_282] : memref<4x128xi32, #tpu.memory_space<vmem>> -> memref<1x128xi32, #tpu.memory_space<vmem>>
        %dma_wait3A_284 = tpu.memref_squeeze %dma_wait3A_283 : memref<1x128xi32, #tpu.memory_space<vmem>> -> memref<128xi32, #tpu.memory_space<vmem>>
        %dma_wait3A_285 = arith.constant 0 : i32
        %dma_wait3A_286 = tpu.memref_slice %arg3[%dma_wait3A_281, %add3A_280, %dma_wait3A_285] : memref<2x2500x128xi32, #tpu.memory_space<hbm>> -> memref<1x1x128xi32, #tpu.memory_space<hbm>>
        %dma_wait3A_287 = tpu.memref_squeeze %dma_wait3A_286 : memref<1x1x128xi32, #tpu.memory_space<hbm>> -> memref<128xi32, #tpu.memory_space<hbm>>
        %dma_wait3A_288 = tpu.memref_slice %arg13[%rem3A_216] : memref<4x!tpu.dma_semaphore, #tpu.memory_space<semaphore_mem>> -> memref<1x!tpu.dma_semaphore, #tpu.memory_space<semaphore_mem>>
        %dma_wait3A_289 = tpu.memref_squeeze %dma_wait3A_288 : memref<1x!tpu.dma_semaphore, #tpu.memory_space<semaphore_mem>> -> memref<!tpu.dma_semaphore, #tpu.memory_space<semaphore_mem>>
        %dma_wait3A_290 = arith.constant 0 : i32
        %dma_wait3A_291 = tpu.memref_slice %arg7[%rem3A_216, %dma_wait3A_290] : memref<4x128xi32, #tpu.memory_space<vmem>> -> memref<1x128xi32, #tpu.memory_space<vmem>>
        %dma_wait3A_292 = tpu.memref_squeeze %dma_wait3A_291 : memref<1x128xi32, #tpu.memory_space<vmem>> -> memref<128xi32, #tpu.memory_space<vmem>>
        %dma_wait3A_293 = arith.constant 0 : i32
        %dma_wait3A_294 = tpu.memref_slice %arg3[%dma_wait3A_281, %add3A_280, %dma_wait3A_293] : memref<2x2500x128xi32, #tpu.memory_space<hbm>> -> memref<1x1x128xi32, #tpu.memory_space<hbm>>
        %dma_wait3A_295 = tpu.memref_squeeze %dma_wait3A_294 : memref<1x1x128xi32, #tpu.memory_space<hbm>> -> memref<128xi32, #tpu.memory_space<hbm>>
        tpu.wait_dma2 semaphore(%dma_wait3A_289 : memref<!tpu.dma_semaphore, #tpu.memory_space<semaphore_mem>>) src(%dma_wait3A_295 : memref<128xi32, #tpu.memory_space<hbm>>) dst(%dma_wait3A_292 : memref<128xi32, #tpu.memory_space<vmem>>)
        %dma_start3A_296 = arith.constant 0 : i32
        %dma_start3A_297 = arith.constant 0 : i32
        %dma_start3A_298 = tpu.memref_slice %arg8[%rem3A_206, %dma_start3A_296, %dma_start3A_297] : memref<3x128x128xf32, #tpu.memory_space<vmem>> -> memref<1x128x128xf32, #tpu.memory_space<vmem>>
        %dma_start3A_299 = tpu.memref_squeeze %dma_start3A_298 : memref<1x128x128xf32, #tpu.memory_space<vmem>> -> memref<128x128xf32, #tpu.memory_space<vmem>>
        %dma_start3A_300 = arith.constant 0 : i32
        %dma_start3A_301 = tpu.memref_slice %arg6[%rem3A_216, %dma_start3A_300] : memref<4x128xi32, #tpu.memory_space<vmem>> -> memref<1x128xi32, #tpu.memory_space<vmem>>
        %dma_start3A_302 = tpu.memref_squeeze %dma_start3A_301 : memref<1x128xi32, #tpu.memory_space<vmem>> -> memref<128xi32, #tpu.memory_space<vmem>>
        %dma_start3A_303 = arith.constant 0 : i32
        %dma_start3A_304 = arith.constant 0 : i32
        %dma_start3A_305 = tpu.memref_slice %arg2[%dma_start3A_303, %dma_start3A_304] : memref<10000x128xf32, #tpu.memory_space<hbm>> -> memref<10000x128xf32, #tpu.memory_space<hbm>>
        %dma_start3A_306 = tpu.memref_slice %arg10[%rem3A_206] : memref<3x!tpu.dma_semaphore, #tpu.memory_space<semaphore_mem>> -> memref<1x!tpu.dma_semaphore, #tpu.memory_space<semaphore_mem>>
        %dma_start3A_307 = tpu.memref_squeeze %dma_start3A_306 : memref<1x!tpu.dma_semaphore, #tpu.memory_space<semaphore_mem>> -> memref<!tpu.dma_semaphore, #tpu.memory_space<semaphore_mem>>
        tpu.enqueue_indirect_dma source(%dma_start3A_305 : memref<10000x128xf32, #tpu.memory_space<hbm>>) target(%dma_start3A_299 : memref<128x128xf32, #tpu.memory_space<vmem>>) offsets(%dma_start3A_302 : memref<128xi32, #tpu.memory_space<vmem>>) semaphore(%dma_start3A_307 : memref<!tpu.dma_semaphore, #tpu.memory_space<semaphore_mem>>)
      } else {
      }
      %add3A_255 = arith.constant 3 : i32
      %add3A_256 = arith.addi %while3A_199, %add3A_255 : i32
      %lt3A_257 = arith.cmpi slt, %add3A_256, %select_n3A : i32
      %convert_element_type3A_258 = arith.extui %lt3A_257 : i1 to i32
      %cond3A_259 = arith.constant 0 : i32
      %cond3A_260 = arith.cmpi ne, %convert_element_type3A_258, %cond3A_259 : i32
      scf.if %cond3A_260 {
        %add3A_262 = arith.constant 3 : i32
        %add3A_263 = arith.addi %while3A_199, %add3A_262 : i32
        %add3A_264 = arith.addi %add3A_6, %add3A_263 : i32
        %dma_start3A_265 = arith.constant 0 : i32
        %dma_start3A_266 = arith.constant 0 : i32
        %dma_start3A_267 = tpu.memref_slice %arg6[%rem3A_220, %dma_start3A_266] : memref<4x128xi32, #tpu.memory_space<vmem>> -> memref<1x128xi32, #tpu.memory_space<vmem>>
        %dma_start3A_268 = tpu.memref_squeeze %dma_start3A_267 : memref<1x128xi32, #tpu.memory_space<vmem>> -> memref<128xi32, #tpu.memory_space<vmem>>
        %dma_start3A_269 = arith.constant 0 : i32
        %dma_start3A_270 = tpu.memref_slice %arg3[%dma_start3A_265, %add3A_264, %dma_start3A_269] : memref<2x2500x128xi32, #tpu.memory_space<hbm>> -> memref<1x1x128xi32, #tpu.memory_space<hbm>>
        %dma_start3A_271 = tpu.memref_squeeze %dma_start3A_270 : memref<1x1x128xi32, #tpu.memory_space<hbm>> -> memref<128xi32, #tpu.memory_space<hbm>>
        %dma_start3A_272 = tpu.memref_slice %arg12[%rem3A_220] : memref<4x!tpu.dma_semaphore, #tpu.memory_space<semaphore_mem>> -> memref<1x!tpu.dma_semaphore, #tpu.memory_space<semaphore_mem>>
        %dma_start3A_273 = tpu.memref_squeeze %dma_start3A_272 : memref<1x!tpu.dma_semaphore, #tpu.memory_space<semaphore_mem>> -> memref<!tpu.dma_semaphore, #tpu.memory_space<semaphore_mem>>
        %dma_start3A_274 = arith.constant 0 : i32
        %dma_start3A_275 = tpu.memref_slice %arg6[%rem3A_220, %dma_start3A_274] : memref<4x128xi32, #tpu.memory_space<vmem>> -> memref<1x128xi32, #tpu.memory_space<vmem>>
        %dma_start3A_276 = tpu.memref_squeeze %dma_start3A_275 : memref<1x128xi32, #tpu.memory_space<vmem>> -> memref<128xi32, #tpu.memory_space<vmem>>
        %dma_start3A_277 = arith.constant 0 : i32
        %dma_start3A_278 = tpu.memref_slice %arg3[%dma_start3A_265, %add3A_264, %dma_start3A_277] : memref<2x2500x128xi32, #tpu.memory_space<hbm>> -> memref<1x1x128xi32, #tpu.memory_space<hbm>>
        %dma_start3A_279 = tpu.memref_squeeze %dma_start3A_278 : memref<1x1x128xi32, #tpu.memory_space<hbm>> -> memref<128xi32, #tpu.memory_space<hbm>>
        tpu.enqueue_dma source(%dma_start3A_279 : memref<128xi32, #tpu.memory_space<hbm>>) target(%dma_start3A_276 : memref<128xi32, #tpu.memory_space<vmem>>) target_semaphore(%dma_start3A_273 : memref<!tpu.dma_semaphore, #tpu.memory_space<semaphore_mem>>)
        %add3A_280 = arith.addi %add3A_6, %add3A_263 : i32
        %dma_start3A_281 = arith.constant 1 : i32
        %dma_start3A_282 = arith.constant 0 : i32
        %dma_start3A_283 = tpu.memref_slice %arg7[%rem3A_220, %dma_start3A_282] : memref<4x128xi32, #tpu.memory_space<vmem>> -> memref<1x128xi32, #tpu.memory_space<vmem>>
        %dma_start3A_284 = tpu.memref_squeeze %dma_start3A_283 : memref<1x128xi32, #tpu.memory_space<vmem>> -> memref<128xi32, #tpu.memory_space<vmem>>
        %dma_start3A_285 = arith.constant 0 : i32
        %dma_start3A_286 = tpu.memref_slice %arg3[%dma_start3A_281, %add3A_280, %dma_start3A_285] : memref<2x2500x128xi32, #tpu.memory_space<hbm>> -> memref<1x1x128xi32, #tpu.memory_space<hbm>>
        %dma_start3A_287 = tpu.memref_squeeze %dma_start3A_286 : memref<1x1x128xi32, #tpu.memory_space<hbm>> -> memref<128xi32, #tpu.memory_space<hbm>>
        %dma_start3A_288 = tpu.memref_slice %arg13[%rem3A_220] : memref<4x!tpu.dma_semaphore, #tpu.memory_space<semaphore_mem>> -> memref<1x!tpu.dma_semaphore, #tpu.memory_space<semaphore_mem>>
        %dma_start3A_289 = tpu.memref_squeeze %dma_start3A_288 : memref<1x!tpu.dma_semaphore, #tpu.memory_space<semaphore_mem>> -> memref<!tpu.dma_semaphore, #tpu.memory_space<semaphore_mem>>
        %dma_start3A_290 = arith.constant 0 : i32
        %dma_start3A_291 = tpu.memref_slice %arg7[%rem3A_220, %dma_start3A_290] : memref<4x128xi32, #tpu.memory_space<vmem>> -> memref<1x128xi32, #tpu.memory_space<vmem>>
        %dma_start3A_292 = tpu.memref_squeeze %dma_start3A_291 : memref<1x128xi32, #tpu.memory_space<vmem>> -> memref<128xi32, #tpu.memory_space<vmem>>
        %dma_start3A_293 = arith.constant 0 : i32
        %dma_start3A_294 = tpu.memref_slice %arg3[%dma_start3A_281, %add3A_280, %dma_start3A_293] : memref<2x2500x128xi32, #tpu.memory_space<hbm>> -> memref<1x1x128xi32, #tpu.memory_space<hbm>>
        %dma_start3A_295 = tpu.memref_squeeze %dma_start3A_294 : memref<1x1x128xi32, #tpu.memory_space<hbm>> -> memref<128xi32, #tpu.memory_space<hbm>>
        tpu.enqueue_dma source(%dma_start3A_295 : memref<128xi32, #tpu.memory_space<hbm>>) target(%dma_start3A_292 : memref<128xi32, #tpu.memory_space<vmem>>) target_semaphore(%dma_start3A_289 : memref<!tpu.dma_semaphore, #tpu.memory_space<semaphore_mem>>)
      } else {
      }
      %while3A_261 = arith.constant 0 : i32
      scf.yield %while3A_261 : i32
    }
    %while3A_168 = arith.constant 1 : i32
    %while3A_169 = scf.for %while3A_199 = %while3A_165 to %while3A_161 step %while3A_168 iter_args(%while3A_200 = %while3A_167) -> (i32)  : i32 {
      %rem3A_201 = arith.constant 3 : i32
      %rem3A_202 = arith.remsi %while3A_199, %rem3A_201 : i32
      %add3A_203 = arith.constant 2 : i32
      %add3A_204 = arith.addi %while3A_199, %add3A_203 : i32
      %rem3A_205 = arith.constant 3 : i32
      %rem3A_206 = arith.remsi %add3A_204, %rem3A_205 : i32
      %rem3A_207 = arith.constant 4 : i32
      %rem3A_208 = arith.remsi %while3A_199, %rem3A_207 : i32
      %add3A_209 = arith.constant 3 : i32
      %add3A_210 = arith.addi %while3A_199, %add3A_209 : i32
      %rem3A_211 = arith.constant 4 : i32
      %rem3A_212 = arith.remsi %add3A_210, %rem3A_211 : i32
      %add3A_213 = arith.constant 2 : i32
      %add3A_214 = arith.addi %while3A_199, %add3A_213 : i32
      %rem3A_215 = arith.constant 4 : i32
      %rem3A_216 = arith.remsi %add3A_214, %rem3A_215 : i32
      %add3A_217 = arith.constant 3 : i32
      %add3A_218 = arith.addi %while3A_199, %add3A_217 : i32
      %rem3A_219 = arith.constant 4 : i32
      %rem3A_220 = arith.remsi %add3A_218, %rem3A_219 : i32
      %dma_wait3A_221 = arith.constant 0 : i32
      %dma_wait3A_222 = arith.constant 0 : i32
      %dma_wait3A_223 = tpu.memref_slice %arg8[%rem3A_202, %dma_wait3A_221, %dma_wait3A_222] : memref<3x128x128xf32, #tpu.memory_space<vmem>> -> memref<1x128x128xf32, #tpu.memory_space<vmem>>
      %dma_wait3A_224 = tpu.memref_squeeze %dma_wait3A_223 : memref<1x128x128xf32, #tpu.memory_space<vmem>> -> memref<128x128xf32, #tpu.memory_space<vmem>>
      %dma_wait3A_225 = arith.constant 0 : i32
      %dma_wait3A_226 = tpu.memref_slice %arg6[%rem3A_208, %dma_wait3A_225] : memref<4x128xi32, #tpu.memory_space<vmem>> -> memref<1x128xi32, #tpu.memory_space<vmem>>
      %dma_wait3A_227 = tpu.memref_squeeze %dma_wait3A_226 : memref<1x128xi32, #tpu.memory_space<vmem>> -> memref<128xi32, #tpu.memory_space<vmem>>
      %dma_wait3A_228 = arith.constant 0 : i32
      %dma_wait3A_229 = arith.constant 0 : i32
      %dma_wait3A_230 = tpu.memref_slice %arg2[%dma_wait3A_228, %dma_wait3A_229] : memref<10000x128xf32, #tpu.memory_space<hbm>> -> memref<10000x128xf32, #tpu.memory_space<hbm>>
      %dma_wait3A_231 = tpu.memref_slice %arg10[%rem3A_202] : memref<3x!tpu.dma_semaphore, #tpu.memory_space<semaphore_mem>> -> memref<1x!tpu.dma_semaphore, #tpu.memory_space<semaphore_mem>>
      %dma_wait3A_232 = tpu.memref_squeeze %dma_wait3A_231 : memref<1x!tpu.dma_semaphore, #tpu.memory_space<semaphore_mem>> -> memref<!tpu.dma_semaphore, #tpu.memory_space<semaphore_mem>>
      tpu.wait_indirect_dma semaphore(%dma_wait3A_232 : memref<!tpu.dma_semaphore, #tpu.memory_space<semaphore_mem>>) src(%dma_wait3A_230 : memref<10000x128xf32, #tpu.memory_space<hbm>>) dst(%dma_wait3A_224 : memref<128x128xf32, #tpu.memory_space<vmem>>)
      %dma_start3A_233 = arith.constant 0 : i32
      %dma_start3A_234 = arith.constant 0 : i32
      %dma_start3A_235 = tpu.memref_slice %arg8[%rem3A_202, %dma_start3A_233, %dma_start3A_234] : memref<3x128x128xf32, #tpu.memory_space<vmem>> -> memref<1x128x128xf32, #tpu.memory_space<vmem>>
      %dma_start3A_236 = tpu.memref_squeeze %dma_start3A_235 : memref<1x128x128xf32, #tpu.memory_space<vmem>> -> memref<128x128xf32, #tpu.memory_space<vmem>>
      %dma_start3A_237 = arith.constant 0 : i32
      %dma_start3A_238 = tpu.memref_slice %arg7[%rem3A_208, %dma_start3A_237] : memref<4x128xi32, #tpu.memory_space<vmem>> -> memref<1x128xi32, #tpu.memory_space<vmem>>
      %dma_start3A_239 = tpu.memref_squeeze %dma_start3A_238 : memref<1x128xi32, #tpu.memory_space<vmem>> -> memref<128xi32, #tpu.memory_space<vmem>>
      %dma_start3A_240 = arith.constant 0 : i32
      %dma_start3A_241 = arith.constant 0 : i32
      %dma_start3A_242 = tpu.memref_slice %arg9[%dma_start3A_240, %dma_start3A_241] : memref<10000x128xf32, #tpu.memory_space<vmem_shared>> -> memref<10000x128xf32, #tpu.memory_space<vmem_shared>>
      %dma_start3A_243 = tpu.memref_slice %arg11[%rem3A_202] : memref<3x!tpu.dma_semaphore, #tpu.memory_space<semaphore_mem>> -> memref<1x!tpu.dma_semaphore, #tpu.memory_space<semaphore_mem>>
      %dma_start3A_244 = tpu.memref_squeeze %dma_start3A_243 : memref<1x!tpu.dma_semaphore, #tpu.memory_space<semaphore_mem>> -> memref<!tpu.dma_semaphore, #tpu.memory_space<semaphore_mem>>
      tpu.enqueue_indirect_dma source(%dma_start3A_236 : memref<128x128xf32, #tpu.memory_space<vmem>>) target(%dma_start3A_242 : memref<10000x128xf32, #tpu.memory_space<vmem_shared>>) offsets(%dma_start3A_239 : memref<128xi32, #tpu.memory_space<vmem>>) semaphore(%dma_start3A_244 : memref<!tpu.dma_semaphore, #tpu.memory_space<semaphore_mem>>) {add = true}
      %gt3A = arith.constant 0 : i32
      %gt3A_245 = arith.cmpi sgt, %while3A_199, %gt3A : i32
      %convert_element_type3A_246 = arith.extui %gt3A_245 : i1 to i32
      %cond3A_247 = arith.constant 0 : i32
      %cond3A_248 = arith.cmpi ne, %convert_element_type3A_246, %cond3A_247 : i32
      scf.if %cond3A_248 {
        %dma_wait3A_262 = arith.constant 0 : i32
        %dma_wait3A_263 = arith.constant 0 : i32
        %dma_wait3A_264 = tpu.memref_slice %arg8[%rem3A_206, %dma_wait3A_262, %dma_wait3A_263] : memref<3x128x128xf32, #tpu.memory_space<vmem>> -> memref<1x128x128xf32, #tpu.memory_space<vmem>>
        %dma_wait3A_265 = tpu.memref_squeeze %dma_wait3A_264 : memref<1x128x128xf32, #tpu.memory_space<vmem>> -> memref<128x128xf32, #tpu.memory_space<vmem>>
        %dma_wait3A_266 = arith.constant 0 : i32
        %dma_wait3A_267 = tpu.memref_slice %arg7[%rem3A_212, %dma_wait3A_266] : memref<4x128xi32, #tpu.memory_space<vmem>> -> memref<1x128xi32, #tpu.memory_space<vmem>>
        %dma_wait3A_268 = tpu.memref_squeeze %dma_wait3A_267 : memref<1x128xi32, #tpu.memory_space<vmem>> -> memref<128xi32, #tpu.memory_space<vmem>>
        %dma_wait3A_269 = arith.constant 0 : i32
        %dma_wait3A_270 = arith.constant 0 : i32
        %dma_wait3A_271 = tpu.memref_slice %arg9[%dma_wait3A_269, %dma_wait3A_270] : memref<10000x128xf32, #tpu.memory_space<vmem_shared>> -> memref<10000x128xf32, #tpu.memory_space<vmem_shared>>
        %dma_wait3A_272 = tpu.memref_slice %arg11[%rem3A_206] : memref<3x!tpu.dma_semaphore, #tpu.memory_space<semaphore_mem>> -> memref<1x!tpu.dma_semaphore, #tpu.memory_space<semaphore_mem>>
        %dma_wait3A_273 = tpu.memref_squeeze %dma_wait3A_272 : memref<1x!tpu.dma_semaphore, #tpu.memory_space<semaphore_mem>> -> memref<!tpu.dma_semaphore, #tpu.memory_space<semaphore_mem>>
        tpu.wait_indirect_dma semaphore(%dma_wait3A_273 : memref<!tpu.dma_semaphore, #tpu.memory_space<semaphore_mem>>) src(%dma_wait3A_265 : memref<128x128xf32, #tpu.memory_space<vmem>>) dst(%dma_wait3A_271 : memref<10000x128xf32, #tpu.memory_space<vmem_shared>>)
      } else {
      }
      %add3A_249 = arith.constant 2 : i32
      %add3A_250 = arith.addi %while3A_199, %add3A_249 : i32
      %lt3A_251 = arith.cmpi slt, %add3A_250, %select_n3A : i32
      %convert_element_type3A_252 = arith.extui %lt3A_251 : i1 to i32
      %cond3A_253 = arith.constant 0 : i32
      %cond3A_254 = arith.cmpi ne, %convert_element_type3A_252, %cond3A_253 : i32
      scf.if %cond3A_254 {
        %add3A_262 = arith.constant 2 : i32
        %add3A_263 = arith.addi %while3A_199, %add3A_262 : i32
        %add3A_264 = arith.addi %add3A_6, %add3A_263 : i32
        %dma_wait3A_265 = arith.constant 0 : i32
        %dma_wait3A_266 = arith.constant 0 : i32
        %dma_wait3A_267 = tpu.memref_slice %arg6[%rem3A_216, %dma_wait3A_266] : memref<4x128xi32, #tpu.memory_space<vmem>> -> memref<1x128xi32, #tpu.memory_space<vmem>>
        %dma_wait3A_268 = tpu.memref_squeeze %dma_wait3A_267 : memref<1x128xi32, #tpu.memory_space<vmem>> -> memref<128xi32, #tpu.memory_space<vmem>>
        %dma_wait3A_269 = arith.constant 0 : i32
        %dma_wait3A_270 = tpu.memref_slice %arg3[%dma_wait3A_265, %add3A_264, %dma_wait3A_269] : memref<2x2500x128xi32, #tpu.memory_space<hbm>> -> memref<1x1x128xi32, #tpu.memory_space<hbm>>
        %dma_wait3A_271 = tpu.memref_squeeze %dma_wait3A_270 : memref<1x1x128xi32, #tpu.memory_space<hbm>> -> memref<128xi32, #tpu.memory_space<hbm>>
        %dma_wait3A_272 = tpu.memref_slice %arg12[%rem3A_216] : memref<4x!tpu.dma_semaphore, #tpu.memory_space<semaphore_mem>> -> memref<1x!tpu.dma_semaphore, #tpu.memory_space<semaphore_mem>>
        %dma_wait3A_273 = tpu.memref_squeeze %dma_wait3A_272 : memref<1x!tpu.dma_semaphore, #tpu.memory_space<semaphore_mem>> -> memref<!tpu.dma_semaphore, #tpu.memory_space<semaphore_mem>>
        %dma_wait3A_274 = arith.constant 0 : i32
        %dma_wait3A_275 = tpu.memref_slice %arg6[%rem3A_216, %dma_wait3A_274] : memref<4x128xi32, #tpu.memory_space<vmem>> -> memref<1x128xi32, #tpu.memory_space<vmem>>
        %dma_wait3A_276 = tpu.memref_squeeze %dma_wait3A_275 : memref<1x128xi32, #tpu.memory_space<vmem>> -> memref<128xi32, #tpu.memory_space<vmem>>
        %dma_wait3A_277 = arith.constant 0 : i32
        %dma_wait3A_278 = tpu.memref_slice %arg3[%dma_wait3A_265, %add3A_264, %dma_wait3A_277] : memref<2x2500x128xi32, #tpu.memory_space<hbm>> -> memref<1x1x128xi32, #tpu.memory_space<hbm>>
        %dma_wait3A_279 = tpu.memref_squeeze %dma_wait3A_278 : memref<1x1x128xi32, #tpu.memory_space<hbm>> -> memref<128xi32, #tpu.memory_space<hbm>>
        tpu.wait_dma2 semaphore(%dma_wait3A_273 : memref<!tpu.dma_semaphore, #tpu.memory_space<semaphore_mem>>) src(%dma_wait3A_279 : memref<128xi32, #tpu.memory_space<hbm>>) dst(%dma_wait3A_276 : memref<128xi32, #tpu.memory_space<vmem>>)
        %add3A_280 = arith.addi %add3A_6, %add3A_263 : i32
        %dma_wait3A_281 = arith.constant 1 : i32
        %dma_wait3A_282 = arith.constant 0 : i32
        %dma_wait3A_283 = tpu.memref_slice %arg7[%rem3A_216, %dma_wait3A_282] : memref<4x128xi32, #tpu.memory_space<vmem>> -> memref<1x128xi32, #tpu.memory_space<vmem>>
        %dma_wait3A_284 = tpu.memref_squeeze %dma_wait3A_283 : memref<1x128xi32, #tpu.memory_space<vmem>> -> memref<128xi32, #tpu.memory_space<vmem>>
        %dma_wait3A_285 = arith.constant 0 : i32
        %dma_wait3A_286 = tpu.memref_slice %arg3[%dma_wait3A_281, %add3A_280, %dma_wait3A_285] : memref<2x2500x128xi32, #tpu.memory_space<hbm>> -> memref<1x1x128xi32, #tpu.memory_space<hbm>>
        %dma_wait3A_287 = tpu.memref_squeeze %dma_wait3A_286 : memref<1x1x128xi32, #tpu.memory_space<hbm>> -> memref<128xi32, #tpu.memory_space<hbm>>
        %dma_wait3A_288 = tpu.memref_slice %arg13[%rem3A_216] : memref<4x!tpu.dma_semaphore, #tpu.memory_space<semaphore_mem>> -> memref<1x!tpu.dma_semaphore, #tpu.memory_space<semaphore_mem>>
        %dma_wait3A_289 = tpu.memref_squeeze %dma_wait3A_288 : memref<1x!tpu.dma_semaphore, #tpu.memory_space<semaphore_mem>> -> memref<!tpu.dma_semaphore, #tpu.memory_space<semaphore_mem>>
        %dma_wait3A_290 = arith.constant 0 : i32
        %dma_wait3A_291 = tpu.memref_slice %arg7[%rem3A_216, %dma_wait3A_290] : memref<4x128xi32, #tpu.memory_space<vmem>> -> memref<1x128xi32, #tpu.memory_space<vmem>>
        %dma_wait3A_292 = tpu.memref_squeeze %dma_wait3A_291 : memref<1x128xi32, #tpu.memory_space<vmem>> -> memref<128xi32, #tpu.memory_space<vmem>>
        %dma_wait3A_293 = arith.constant 0 : i32
        %dma_wait3A_294 = tpu.memref_slice %arg3[%dma_wait3A_281, %add3A_280, %dma_wait3A_293] : memref<2x2500x128xi32, #tpu.memory_space<hbm>> -> memref<1x1x128xi32, #tpu.memory_space<hbm>>
        %dma_wait3A_295 = tpu.memref_squeeze %dma_wait3A_294 : memref<1x1x128xi32, #tpu.memory_space<hbm>> -> memref<128xi32, #tpu.memory_space<hbm>>
        tpu.wait_dma2 semaphore(%dma_wait3A_289 : memref<!tpu.dma_semaphore, #tpu.memory_space<semaphore_mem>>) src(%dma_wait3A_295 : memref<128xi32, #tpu.memory_space<hbm>>) dst(%dma_wait3A_292 : memref<128xi32, #tpu.memory_space<vmem>>)
        %dma_start3A_296 = arith.constant 0 : i32
        %dma_start3A_297 = arith.constant 0 : i32
        %dma_start3A_298 = tpu.memref_slice %arg8[%rem3A_206, %dma_start3A_296, %dma_start3A_297] : memref<3x128x128xf32, #tpu.memory_space<vmem>> -> memref<1x128x128xf32, #tpu.memory_space<vmem>>
        %dma_start3A_299 = tpu.memref_squeeze %dma_start3A_298 : memref<1x128x128xf32, #tpu.memory_space<vmem>> -> memref<128x128xf32, #tpu.memory_space<vmem>>
        %dma_start3A_300 = arith.constant 0 : i32
        %dma_start3A_301 = tpu.memref_slice %arg6[%rem3A_216, %dma_start3A_300] : memref<4x128xi32, #tpu.memory_space<vmem>> -> memref<1x128xi32, #tpu.memory_space<vmem>>
        %dma_start3A_302 = tpu.memref_squeeze %dma_start3A_301 : memref<1x128xi32, #tpu.memory_space<vmem>> -> memref<128xi32, #tpu.memory_space<vmem>>
        %dma_start3A_303 = arith.constant 0 : i32
        %dma_start3A_304 = arith.constant 0 : i32
        %dma_start3A_305 = tpu.memref_slice %arg2[%dma_start3A_303, %dma_start3A_304] : memref<10000x128xf32, #tpu.memory_space<hbm>> -> memref<10000x128xf32, #tpu.memory_space<hbm>>
        %dma_start3A_306 = tpu.memref_slice %arg10[%rem3A_206] : memref<3x!tpu.dma_semaphore, #tpu.memory_space<semaphore_mem>> -> memref<1x!tpu.dma_semaphore, #tpu.memory_space<semaphore_mem>>
        %dma_start3A_307 = tpu.memref_squeeze %dma_start3A_306 : memref<1x!tpu.dma_semaphore, #tpu.memory_space<semaphore_mem>> -> memref<!tpu.dma_semaphore, #tpu.memory_space<semaphore_mem>>
        tpu.enqueue_indirect_dma source(%dma_start3A_305 : memref<10000x128xf32, #tpu.memory_space<hbm>>) target(%dma_start3A_299 : memref<128x128xf32, #tpu.memory_space<vmem>>) offsets(%dma_start3A_302 : memref<128xi32, #tpu.memory_space<vmem>>) semaphore(%dma_start3A_307 : memref<!tpu.dma_semaphore, #tpu.memory_space<semaphore_mem>>)
      } else {
      }
      %add3A_255 = arith.constant 3 : i32
      %add3A_256 = arith.addi %while3A_199, %add3A_255 : i32
      %lt3A_257 = arith.cmpi slt, %add3A_256, %select_n3A : i32
      %convert_element_type3A_258 = arith.extui %lt3A_257 : i1 to i32
      %cond3A_259 = arith.constant 0 : i32
      %cond3A_260 = arith.cmpi ne, %convert_element_type3A_258, %cond3A_259 : i32
      scf.if %cond3A_260 {
        %add3A_262 = arith.constant 3 : i32
        %add3A_263 = arith.addi %while3A_199, %add3A_262 : i32
        %add3A_264 = arith.addi %add3A_6, %add3A_263 : i32
        %dma_start3A_265 = arith.constant 0 : i32
        %dma_start3A_266 = arith.constant 0 : i32
        %dma_start3A_267 = tpu.memref_slice %arg6[%rem3A_220, %dma_start3A_266] : memref<4x128xi32, #tpu.memory_space<vmem>> -> memref<1x128xi32, #tpu.memory_space<vmem>>
        %dma_start3A_268 = tpu.memref_squeeze %dma_start3A_267 : memref<1x128xi32, #tpu.memory_space<vmem>> -> memref<128xi32, #tpu.memory_space<vmem>>
        %dma_start3A_269 = arith.constant 0 : i32
        %dma_start3A_270 = tpu.memref_slice %arg3[%dma_start3A_265, %add3A_264, %dma_start3A_269] : memref<2x2500x128xi32, #tpu.memory_space<hbm>> -> memref<1x1x128xi32, #tpu.memory_space<hbm>>
        %dma_start3A_271 = tpu.memref_squeeze %dma_start3A_270 : memref<1x1x128xi32, #tpu.memory_space<hbm>> -> memref<128xi32, #tpu.memory_space<hbm>>
        %dma_start3A_272 = tpu.memref_slice %arg12[%rem3A_220] : memref<4x!tpu.dma_semaphore, #tpu.memory_space<semaphore_mem>> -> memref<1x!tpu.dma_semaphore, #tpu.memory_space<semaphore_mem>>
        %dma_start3A_273 = tpu.memref_squeeze %dma_start3A_272 : memref<1x!tpu.dma_semaphore, #tpu.memory_space<semaphore_mem>> -> memref<!tpu.dma_semaphore, #tpu.memory_space<semaphore_mem>>
        %dma_start3A_274 = arith.constant 0 : i32
        %dma_start3A_275 = tpu.memref_slice %arg6[%rem3A_220, %dma_start3A_274] : memref<4x128xi32, #tpu.memory_space<vmem>> -> memref<1x128xi32, #tpu.memory_space<vmem>>
        %dma_start3A_276 = tpu.memref_squeeze %dma_start3A_275 : memref<1x128xi32, #tpu.memory_space<vmem>> -> memref<128xi32, #tpu.memory_space<vmem>>
        %dma_start3A_277 = arith.constant 0 : i32
        %dma_start3A_278 = tpu.memref_slice %arg3[%dma_start3A_265, %add3A_264, %dma_start3A_277] : memref<2x2500x128xi32, #tpu.memory_space<hbm>> -> memref<1x1x128xi32, #tpu.memory_space<hbm>>
        %dma_start3A_279 = tpu.memref_squeeze %dma_start3A_278 : memref<1x1x128xi32, #tpu.memory_space<hbm>> -> memref<128xi32, #tpu.memory_space<hbm>>
        tpu.enqueue_dma source(%dma_start3A_279 : memref<128xi32, #tpu.memory_space<hbm>>) target(%dma_start3A_276 : memref<128xi32, #tpu.memory_space<vmem>>) target_semaphore(%dma_start3A_273 : memref<!tpu.dma_semaphore, #tpu.memory_space<semaphore_mem>>)
        %add3A_280 = arith.addi %add3A_6, %add3A_263 : i32
        %dma_start3A_281 = arith.constant 1 : i32
        %dma_start3A_282 = arith.constant 0 : i32
        %dma_start3A_283 = tpu.memref_slice %arg7[%rem3A_220, %dma_start3A_282] : memref<4x128xi32, #tpu.memory_space<vmem>> -> memref<1x128xi32, #tpu.memory_space<vmem>>
        %dma_start3A_284 = tpu.memref_squeeze %dma_start3A_283 : memref<1x128xi32, #tpu.memory_space<vmem>> -> memref<128xi32, #tpu.memory_space<vmem>>
        %dma_start3A_285 = arith.constant 0 : i32
        %dma_start3A_286 = tpu.memref_slice %arg3[%dma_start3A_281, %add3A_280, %dma_start3A_285] : memref<2x2500x128xi32, #tpu.memory_space<hbm>> -> memref<1x1x128xi32, #tpu.memory_space<hbm>>
        %dma_start3A_287 = tpu.memref_squeeze %dma_start3A_286 : memref<1x1x128xi32, #tpu.memory_space<hbm>> -> memref<128xi32, #tpu.memory_space<hbm>>
        %dma_start3A_288 = tpu.memref_slice %arg13[%rem3A_220] : memref<4x!tpu.dma_semaphore, #tpu.memory_space<semaphore_mem>> -> memref<1x!tpu.dma_semaphore, #tpu.memory_space<semaphore_mem>>
        %dma_start3A_289 = tpu.memref_squeeze %dma_start3A_288 : memref<1x!tpu.dma_semaphore, #tpu.memory_space<semaphore_mem>> -> memref<!tpu.dma_semaphore, #tpu.memory_space<semaphore_mem>>
        %dma_start3A_290 = arith.constant 0 : i32
        %dma_start3A_291 = tpu.memref_slice %arg7[%rem3A_220, %dma_start3A_290] : memref<4x128xi32, #tpu.memory_space<vmem>> -> memref<1x128xi32, #tpu.memory_space<vmem>>
        %dma_start3A_292 = tpu.memref_squeeze %dma_start3A_291 : memref<1x128xi32, #tpu.memory_space<vmem>> -> memref<128xi32, #tpu.memory_space<vmem>>
        %dma_start3A_293 = arith.constant 0 : i32
        %dma_start3A_294 = tpu.memref_slice %arg3[%dma_start3A_281, %add3A_280, %dma_start3A_293] : memref<2x2500x128xi32, #tpu.memory_space<hbm>> -> memref<1x1x128xi32, #tpu.memory_space<hbm>>
        %dma_start3A_295 = tpu.memref_squeeze %dma_start3A_294 : memref<1x1x128xi32, #tpu.memory_space<hbm>> -> memref<128xi32, #tpu.memory_space<hbm>>
        tpu.enqueue_dma source(%dma_start3A_295 : memref<128xi32, #tpu.memory_space<hbm>>) target(%dma_start3A_292 : memref<128xi32, #tpu.memory_space<vmem>>) target_semaphore(%dma_start3A_289 : memref<!tpu.dma_semaphore, #tpu.memory_space<semaphore_mem>>)
      } else {
      }
      %while3A_261 = arith.constant 0 : i32
      scf.yield %while3A_261 : i32
    }
    %sub3A = arith.constant 1 : i32
    %sub3A_170 = arith.subi %select_n3A, %sub3A : i32
    %rem3A = arith.constant 4 : i32
    %rem3A_171 = arith.remsi %sub3A_170, %rem3A : i32
    %sub3A_172 = arith.constant 1 : i32
    %sub3A_173 = arith.subi %select_n3A, %sub3A_172 : i32
    %rem3A_174 = arith.constant 3 : i32
    %rem3A_175 = arith.remsi %sub3A_173, %rem3A_174 : i32
    %dma_wait3A_176 = arith.constant 0 : i32
    %dma_wait3A_177 = arith.constant 0 : i32
    %dma_wait3A_178 = tpu.memref_slice %arg8[%rem3A_175, %dma_wait3A_176, %dma_wait3A_177] : memref<3x128x128xf32, #tpu.memory_space<vmem>> -> memref<1x128x128xf32, #tpu.memory_space<vmem>>
    %dma_wait3A_179 = tpu.memref_squeeze %dma_wait3A_178 : memref<1x128x128xf32, #tpu.memory_space<vmem>> -> memref<128x128xf32, #tpu.memory_space<vmem>>
    %dma_wait3A_180 = arith.constant 0 : i32
    %dma_wait3A_181 = tpu.memref_slice %arg7[%rem3A_171, %dma_wait3A_180] : memref<4x128xi32, #tpu.memory_space<vmem>> -> memref<1x128xi32, #tpu.memory_space<vmem>>
    %dma_wait3A_182 = tpu.memref_squeeze %dma_wait3A_181 : memref<1x128xi32, #tpu.memory_space<vmem>> -> memref<128xi32, #tpu.memory_space<vmem>>
    %dma_wait3A_183 = arith.constant 0 : i32
    %dma_wait3A_184 = arith.constant 0 : i32
    %dma_wait3A_185 = tpu.memref_slice %arg9[%dma_wait3A_183, %dma_wait3A_184] : memref<10000x128xf32, #tpu.memory_space<vmem_shared>> -> memref<10000x128xf32, #tpu.memory_space<vmem_shared>>
    %dma_wait3A_186 = tpu.memref_slice %arg11[%rem3A_175] : memref<3x!tpu.dma_semaphore, #tpu.memory_space<semaphore_mem>> -> memref<1x!tpu.dma_semaphore, #tpu.memory_space<semaphore_mem>>
    %dma_wait3A_187 = tpu.memref_squeeze %dma_wait3A_186 : memref<1x!tpu.dma_semaphore, #tpu.memory_space<semaphore_mem>> -> memref<!tpu.dma_semaphore, #tpu.memory_space<semaphore_mem>>
    tpu.wait_indirect_dma semaphore(%dma_wait3A_187 : memref<!tpu.dma_semaphore, #tpu.memory_space<semaphore_mem>>) src(%dma_wait3A_179 : memref<128x128xf32, #tpu.memory_space<vmem>>) dst(%dma_wait3A_185 : memref<10000x128xf32, #tpu.memory_space<vmem_shared>>)
    %barrier3A_188 = arith.constant 0 : index
    tpu.barrier barrier_id(%barrier3A_188)
    %lt3A_189 = arith.constant 15 : i32
    %lt3A_190 = arith.cmpi slt, %arg1, %lt3A_189 : i32
    %convert_element_type3A_191 = arith.extui %lt3A_190 : i1 to i32
    %cond3A_192 = arith.constant 0 : i32
    %cond3A_193 = arith.cmpi ne, %convert_element_type3A_191, %cond3A_192 : i32
    scf.if %cond3A_193 {
      %mul3A_199 = arith.constant 632 : i32
      %mul3A_200 = arith.muli %arg1, %mul3A_199 : i32
      %mul3A_201 = arith.constant 632 : i32
      %mul3A_202 = arith.muli %arg1, %mul3A_201 : i32
      "tpu.region"() ({
        %run_scoped3A_203 = tpu.sem_alloc : memref<!tpu.dma_semaphore, #tpu.memory_space<semaphore_mem>>
        %dma_start3A_204 = arith.constant 0 : i32
        %dma_start3A_205 = tpu.memref_slice %arg5[%arg0, %mul3A_202, %dma_start3A_204] : memref<2x10000x128xf32, #tpu.memory_space<hbm>> -> memref<1x632x128xf32, #tpu.memory_space<hbm>>
        %dma_start3A_206 = tpu.memref_squeeze %dma_start3A_205 : memref<1x632x128xf32, #tpu.memory_space<hbm>> -> memref<632x128xf32, #tpu.memory_space<hbm>>
        %dma_start3A_207 = arith.constant 0 : i32
        %dma_start3A_208 = tpu.memref_slice %arg9[%mul3A_200, %dma_start3A_207] : memref<10000x128xf32, #tpu.memory_space<vmem_shared>> -> memref<632x128xf32, #tpu.memory_space<vmem_shared>>
        tpu.enqueue_dma source(%dma_start3A_208 : memref<632x128xf32, #tpu.memory_space<vmem_shared>>) target(%dma_start3A_206 : memref<632x128xf32, #tpu.memory_space<hbm>>) target_semaphore(%run_scoped3A_203 : memref<!tpu.dma_semaphore, #tpu.memory_space<semaphore_mem>>)
        %dma_wait3A_209 = arith.constant 0 : i32
        %dma_wait3A_210 = tpu.memref_slice %arg5[%arg0, %mul3A_202, %dma_wait3A_209] : memref<2x10000x128xf32, #tpu.memory_space<hbm>> -> memref<1x632x128xf32, #tpu.memory_space<hbm>>
        %dma_wait3A_211 = tpu.memref_squeeze %dma_wait3A_210 : memref<1x632x128xf32, #tpu.memory_space<hbm>> -> memref<632x128xf32, #tpu.memory_space<hbm>>
        %dma_wait3A_212 = arith.constant 0 : i32
        %dma_wait3A_213 = tpu.memref_slice %arg9[%mul3A_200, %dma_wait3A_212] : memref<10000x128xf32, #tpu.memory_space<vmem_shared>> -> memref<632x128xf32, #tpu.memory_space<vmem_shared>>
        tpu.wait_dma2 semaphore(%run_scoped3A_203 : memref<!tpu.dma_semaphore, #tpu.memory_space<semaphore_mem>>) src(%dma_wait3A_213 : memref<632x128xf32, #tpu.memory_space<vmem_shared>>) dst(%dma_wait3A_211 : memref<632x128xf32, #tpu.memory_space<hbm>>)
        tpu.yield
      }) : () -> ()
    } else {
    }
    %eq3A_194 = arith.constant 15 : i32
    %eq3A_195 = arith.cmpi eq, %arg1, %eq3A_194 : i32
    %convert_element_type3A_196 = arith.extui %eq3A_195 : i1 to i32
    %cond3A_197 = arith.constant 0 : i32
    %cond3A_198 = arith.cmpi ne, %convert_element_type3A_196, %cond3A_197 : i32
    scf.if %cond3A_198 {
      "tpu.region"() ({
        %run_scoped3A_199 = tpu.sem_alloc : memref<!tpu.dma_semaphore, #tpu.memory_space<semaphore_mem>>
        %dma_start3A_200 = arith.constant 9480 : i32
        %dma_start3A_201 = arith.constant 0 : i32
        %dma_start3A_202 = tpu.memref_slice %arg5[%arg0, %dma_start3A_200, %dma_start3A_201] : memref<2x10000x128xf32, #tpu.memory_space<hbm>> -> memref<1x520x128xf32, #tpu.memory_space<hbm>>
        %dma_start3A_203 = tpu.memref_squeeze %dma_start3A_202 : memref<1x520x128xf32, #tpu.memory_space<hbm>> -> memref<520x128xf32, #tpu.memory_space<hbm>>
        %dma_start3A_204 = arith.constant 9480 : i32
        %dma_start3A_205 = arith.constant 0 : i32
        %dma_start3A_206 = tpu.memref_slice %arg9[%dma_start3A_204, %dma_start3A_205] : memref<10000x128xf32, #tpu.memory_space<vmem_shared>> -> memref<520x128xf32, #tpu.memory_space<vmem_shared>>
        tpu.enqueue_dma source(%dma_start3A_206 : memref<520x128xf32, #tpu.memory_space<vmem_shared>>) target(%dma_start3A_203 : memref<520x128xf32, #tpu.memory_space<hbm>>) target_semaphore(%run_scoped3A_199 : memref<!tpu.dma_semaphore, #tpu.memory_space<semaphore_mem>>)
        %dma_wait3A_207 = arith.constant 9480 : i32
        %dma_wait3A_208 = arith.constant 0 : i32
        %dma_wait3A_209 = tpu.memref_slice %arg5[%arg0, %dma_wait3A_207, %dma_wait3A_208] : memref<2x10000x128xf32, #tpu.memory_space<hbm>> -> memref<1x520x128xf32, #tpu.memory_space<hbm>>
        %dma_wait3A_210 = tpu.memref_squeeze %dma_wait3A_209 : memref<1x520x128xf32, #tpu.memory_space<hbm>> -> memref<520x128xf32, #tpu.memory_space<hbm>>
        %dma_wait3A_211 = arith.constant 9480 : i32
        %dma_wait3A_212 = arith.constant 0 : i32
        %dma_wait3A_213 = tpu.memref_slice %arg9[%dma_wait3A_211, %dma_wait3A_212] : memref<10000x128xf32, #tpu.memory_space<vmem_shared>> -> memref<520x128xf32, #tpu.memory_space<vmem_shared>>
        tpu.wait_dma2 semaphore(%run_scoped3A_199 : memref<!tpu.dma_semaphore, #tpu.memory_space<semaphore_mem>>) src(%dma_wait3A_213 : memref<520x128xf32, #tpu.memory_space<vmem_shared>>) dst(%dma_wait3A_210 : memref<520x128xf32, #tpu.memory_space<hbm>>)
        tpu.yield
      }) : () -> ()
    } else {
    }
    return
  }
}

module attributes {stable_mosaic.version = 14 : i64} {
  func.func @_tc_body(%arg0: i32, %arg1: memref<2000x128xf32, #tpu.memory_space<vmem>>, %arg2: memref<1x2000x128xf32, #tpu.memory_space<vmem>>, %arg3: memref<1x2000x128xf32, #tpu.memory_space<vmem>>, %arg4: memref<128x128xf32, #tpu.memory_space<vmem>>, %arg5: memref<1x128xf32, #tpu.memory_space<vmem>>, %arg6: memref<128x128xf32, #tpu.memory_space<vmem>>, %arg7: memref<1x128xf32, #tpu.memory_space<vmem>>, %arg8: memref<128x128xf32, #tpu.memory_space<vmem>>, %arg9: memref<1x128xf32, #tpu.memory_space<vmem>>, %arg10: memref<2000x128xf32, #tpu.memory_space<vmem>>) attributes {dimension_semantics = [#tpu.dimension_semantics<arbitrary>], iteration_bounds = array<i64: 5>, scalar_prefetch = 0 : i64, scratch_operands = 0 : i64, tpu.core_type = #tpu.core_type<tc>, window_params = [{transform_indices = @transform_0, window_bounds = array<i64: 2000, 128>}, {transform_indices = @transform_1, window_bounds = array<i64: 1, 2000, 128>}, {transform_indices = @transform_2, window_bounds = array<i64: 1, 2000, 128>}, {pipeline_mode = #tpu.pipeline_mode<synchronous>, transform_indices = @transform_3, window_bounds = array<i64: 128, 128>}, {pipeline_mode = #tpu.pipeline_mode<synchronous>, transform_indices = @transform_4, window_bounds = array<i64: 1, 128>}, {pipeline_mode = #tpu.pipeline_mode<synchronous>, transform_indices = @transform_5, window_bounds = array<i64: 128, 128>}, {pipeline_mode = #tpu.pipeline_mode<synchronous>, transform_indices = @transform_6, window_bounds = array<i64: 1, 128>}, {pipeline_mode = #tpu.pipeline_mode<synchronous>, transform_indices = @transform_7, window_bounds = array<i64: 128, 128>}, {pipeline_mode = #tpu.pipeline_mode<synchronous>, transform_indices = @transform_8, window_bounds = array<i64: 1, 128>}, {transform_indices = @transform_9, window_bounds = array<i64: 2000, 128>}]} {
    %get3A = arith.constant 0 : index
    %get3A_0 = arith.constant 0 : index
    %get3A_1 = vector.load %arg1[%get3A, %get3A_0] : memref<2000x128xf32, #tpu.memory_space<vmem>>, vector<2000x128xf32>
    %get3A_2 = arith.constant 0 : index
    %get3A_3 = arith.constant 0 : index
    %get3A_4 = arith.constant 0 : index
    %get3A_5 = vector.load %arg2[%get3A_2, %get3A_3, %get3A_4] : memref<1x2000x128xf32, #tpu.memory_space<vmem>>, vector<1x2000x128xf32>
    %get3A_6 = vector.shape_cast %get3A_5 : vector<1x2000x128xf32> to vector<2000x128xf32>
    %add3A = arith.addf %get3A_1, %get3A_6 : vector<2000x128xf32>
    %get3A_7 = arith.constant 0 : index
    %get3A_8 = arith.constant 0 : index
    %get3A_9 = arith.constant 0 : index
    %get3A_10 = vector.load %arg3[%get3A_7, %get3A_8, %get3A_9] : memref<1x2000x128xf32, #tpu.memory_space<vmem>>, vector<1x2000x128xf32>
    %get3A_11 = vector.shape_cast %get3A_10 : vector<1x2000x128xf32> to vector<2000x128xf32>
    %add3A_12 = arith.addf %add3A, %get3A_11 : vector<2000x128xf32>
    %get3A_13 = arith.constant 0 : index
    %get3A_14 = arith.constant 0 : index
    %get3A_15 = vector.load %arg4[%get3A_13, %get3A_14] : memref<128x128xf32, #tpu.memory_space<vmem>>, vector<128x128xf32>
    %dot_general3A = arith.constant dense<0.000000e+00> : vector<2000x128xf32>
    %dot_general3A_16 = tpu.matmul %add3A_12, %get3A_15, %dot_general3A {dimension_numbers = #tpu.dot_dimension_numbers<[1], [0], [0], [1], [0, 0, 1, 1], [], []>, transpose_lhs_hint = false} : vector<2000x128xf32>, vector<128x128xf32>, vector<2000x128xf32> -> vector<2000x128xf32>
    %get3A_17 = arith.constant 0 : index
    %get3A_18 = arith.constant 0 : index
    %get3A_19 = vector.load %arg5[%get3A_17, %get3A_18] : memref<1x128xf32, #tpu.memory_space<vmem>>, vector<1x128xf32>
    %add3A_20 = vector.broadcast %get3A_19 : vector<1x128xf32> to vector<2000x128xf32>
    %add3A_21 = arith.addf %dot_general3A_16, %add3A_20 : vector<2000x128xf32>
    %max3A = arith.constant 0.000000e+00 : f32
    %max3A_22 = vector.broadcast %max3A : f32 to vector<2000x128xf32>
    %max3A_23 = arith.maximumf %add3A_21, %max3A_22 : vector<2000x128xf32>
    %get3A_24 = arith.constant 0 : index
    %get3A_25 = arith.constant 0 : index
    %get3A_26 = vector.load %arg6[%get3A_24, %get3A_25] : memref<128x128xf32, #tpu.memory_space<vmem>>, vector<128x128xf32>
    %dot_general3A_27 = arith.constant dense<0.000000e+00> : vector<2000x128xf32>
    %dot_general3A_28 = tpu.matmul %max3A_23, %get3A_26, %dot_general3A_27 {dimension_numbers = #tpu.dot_dimension_numbers<[1], [0], [0], [1], [0, 0, 1, 1], [], []>, transpose_lhs_hint = false} : vector<2000x128xf32>, vector<128x128xf32>, vector<2000x128xf32> -> vector<2000x128xf32>
    %get3A_29 = arith.constant 0 : index
    %get3A_30 = arith.constant 0 : index
    %get3A_31 = vector.load %arg7[%get3A_29, %get3A_30] : memref<1x128xf32, #tpu.memory_space<vmem>>, vector<1x128xf32>
    %add3A_32 = vector.broadcast %get3A_31 : vector<1x128xf32> to vector<2000x128xf32>
    %add3A_33 = arith.addf %dot_general3A_28, %add3A_32 : vector<2000x128xf32>
    %get3A_34 = arith.constant 0 : index
    %get3A_35 = arith.constant 0 : index
    %get3A_36 = vector.load %arg8[%get3A_34, %get3A_35] : memref<128x128xf32, #tpu.memory_space<vmem>>, vector<128x128xf32>
    %dot_general3A_37 = arith.constant dense<0.000000e+00> : vector<2000x128xf32>
    %dot_general3A_38 = tpu.matmul %get3A_1, %get3A_36, %dot_general3A_37 {dimension_numbers = #tpu.dot_dimension_numbers<[1], [0], [0], [1], [0, 0, 1, 1], [], []>, transpose_lhs_hint = false} : vector<2000x128xf32>, vector<128x128xf32>, vector<2000x128xf32> -> vector<2000x128xf32>
    %get3A_39 = arith.constant 0 : index
    %get3A_40 = arith.constant 0 : index
    %get3A_41 = vector.load %arg9[%get3A_39, %get3A_40] : memref<1x128xf32, #tpu.memory_space<vmem>>, vector<1x128xf32>
    %add3A_42 = vector.broadcast %get3A_41 : vector<1x128xf32> to vector<2000x128xf32>
    %add3A_43 = arith.addf %dot_general3A_38, %add3A_42 : vector<2000x128xf32>
    %add3A_44 = arith.addf %add3A_43, %add3A_33 : vector<2000x128xf32>
    %swap3A = arith.constant 0 : index
    %swap3A_45 = arith.constant 0 : index
    %swap3A_46 = vector.load %arg10[%swap3A, %swap3A_45] : memref<2000x128xf32, #tpu.memory_space<vmem>>, vector<2000x128xf32>
    tpu.vector_store %arg10[%swap3A, %swap3A_45], %add3A_44 {strides = array<i32>} : memref<2000x128xf32, #tpu.memory_space<vmem>>, vector<2000x128xf32>,
    return
  }
  func.func @transform_0(%arg0: i32) -> (i32, i32) {
    %c0_i32 = arith.constant 0 : i32
    %c0_i32_0 = arith.constant 0 : i32
    return %arg0, %c0_i32 : i32, i32
  }
  func.func @transform_1(%arg0: i32) -> (i32, i32, i32) {
    %c0_i32 = arith.constant 0 : i32
    %c0_i32_0 = arith.constant 0 : i32
    %c0_i32_1 = arith.constant 0 : i32
    return %c0_i32, %arg0, %c0_i32_0 : i32, i32, i32
  }
  func.func @transform_2(%arg0: i32) -> (i32, i32, i32) {
    %c1_i32 = arith.constant 1 : i32
    %c0_i32 = arith.constant 0 : i32
    %c0_i32_0 = arith.constant 0 : i32
    return %c1_i32, %arg0, %c0_i32 : i32, i32, i32
  }
  func.func @transform_3(%arg0: i32) -> (i32, i32) {
    %c0_i32 = arith.constant 0 : i32
    %c0_i32_0 = arith.constant 0 : i32
    %c0_i32_1 = arith.constant 0 : i32
    return %c0_i32, %c0_i32_0 : i32, i32
  }
  func.func @transform_4(%arg0: i32) -> (i32, i32) {
    %c0_i32 = arith.constant 0 : i32
    %c0_i32_0 = arith.constant 0 : i32
    %c0_i32_1 = arith.constant 0 : i32
    return %c0_i32, %c0_i32_0 : i32, i32
  }
  func.func @transform_5(%arg0: i32) -> (i32, i32) {
    %c0_i32 = arith.constant 0 : i32
    %c0_i32_0 = arith.constant 0 : i32
    %c0_i32_1 = arith.constant 0 : i32
    return %c0_i32, %c0_i32_0 : i32, i32
  }
  func.func @transform_6(%arg0: i32) -> (i32, i32) {
    %c0_i32 = arith.constant 0 : i32
    %c0_i32_0 = arith.constant 0 : i32
    %c0_i32_1 = arith.constant 0 : i32
    return %c0_i32, %c0_i32_0 : i32, i32
  }
  func.func @transform_7(%arg0: i32) -> (i32, i32) {
    %c0_i32 = arith.constant 0 : i32
    %c0_i32_0 = arith.constant 0 : i32
    %c0_i32_1 = arith.constant 0 : i32
    return %c0_i32, %c0_i32_0 : i32, i32
  }
  func.func @transform_8(%arg0: i32) -> (i32, i32) {
    %c0_i32 = arith.constant 0 : i32
    %c0_i32_0 = arith.constant 0 : i32
    %c0_i32_1 = arith.constant 0 : i32
    return %c0_i32, %c0_i32_0 : i32, i32
  }
  func.func @transform_9(%arg0: i32) -> (i32, i32) {
    %c0_i32 = arith.constant 0 : i32
    %c0_i32_0 = arith.constant 0 : i32
    return %arg0, %c0_i32 : i32, i32
  }
}

</mosaic_0001>

<sc_bundles>
// kernel: kernel.4.cloned.1.call-start
scs
__scs_entry_jumppad:
0x0: {  	(pc) =	sbr.rel $0x88, $3  }
0x1: {  	(tag) =	ssettag $0x0;
	lr =	simm.s32 $0x1  }
0x2: {  	[smem:$0x3F99] =	sst lr;
	_ =	strace $0xD0000000  }
0x3: {  	_ = 	snop  }
0x4: {  	_ = 	snop  }
0x5: {  	_ = 	snop  }
0x6: {  	_ = 	snop  }
0x7: {  	_ = 	snop  }
__scs_overlays_trampoline_lowered:
0x8: {  	[smem:$0x3FA8] =	sst s0  }
0x9: {  	[smem:$0x3FA9] =	sst s1  }
0xa: {  	[smem:$0x3FAA] =	sst s2  }
0xb: {  	[smem:$0x3FAB] =	sst s3  }
0xc: {  	[smem:$0x3FAC] =	sst s4  }
0xd: {  	[smem:$0x3FAD] =	sst s5  }
0xe: {  	[smem:$0x3FAE] =	sst s6  }
0xf: {  	[smem:$0x3FAF] =	sst s7  }
0x10: {  	[smem:$0x3FB0] =	sst s8  }
0x11: {  	[smem:$0x3FB1] =	sst s9;
	s0 =	simm.s32 @!p0 $0x0  }
0x12: {  	s1 =	sld [smem:$0x3F97];
	s0 =	simm.s32 @p0 $0x1  }
0x13: {  	[smem:$0x3FB2] =	sst s0;
	s0 =	simm.s32 @!p1 $0x0  }
0x14: {  	s2 =	sld [smem:$0x3F96];
	s0 =	simm.s32 @p1 $0x1  }
0x15: {  	[smem:$0x3FB3] =	sst s0;
	s0 =	simm.s32 @!p2 $0x0  }
0x16: {  	s3 =	sld [smem:$0x3FDB];
	s0 =	simm.s32 @p2 $0x1  }
0x17: {  	s4 =	simm.s32 $0x1BF5;
	[smem:$0x3FB5] =	sst s0  }
0x18: {  	s0 =	sld [smem:$0x3F98];
	_ =	swait.ge [sflag:s4], $0x0  }
0x19: {  	s7 =	sld [smem:$0x3F99]  }
0x1a: {  	s8 =	sadd.s32 $0xFFFFE003, lr  }
0x1b: {  	s9 =	sadd.s32 $0xFFFFFEF7, lr;
	s5 =	simm.s32 $0xFFFFFFFF;
	p2 =	slt.u32 s8, $0xFFFFF086  }
0x1c: {  	p1 =	slt.u32 s9, $0xF7A;
	s5 =	simm.s32 @!p2 $0x0  }
0x1d: {  	s5 =	simm.s32 @p1 $0x1;
	p0 =	seq.s32 s7, s2  }
0x1e: {  	s7 =	smul.u32 @!p0 $0xF7A, s2;
	p2 =	seq.s32 @!p0 s5, $0x0  }
0x1f: {  	s9 =	smul.u32 $0xF7A, s1;
	s8 =	simm.s32 @!p0 $0x1BF5;
	p2 =	por !p2, p0  }
0x20: {  	[sflag:s8] =	ssyncset.s32 @!p0 $0xFFFFF086;
	s6 =	sadd.s32 @!p0 s3, s7;
	s7 =	simm.s32 @!p0 $0x108  }
0x21: {  	s3 =	sadd.s32 s3, s9;
	s6 =	sadd.s32 @!p0 $0x88, s6;
	s7 =	simm.s32 @p2 $0x1082  }
0x22: {  	[simem:s7], [sflag:s8] =	dma.local @!p0 [hbm:s6], $0xF7A  }
0x23: {  	s9 =	sor.u32 $0xD0000000, s2;
	s6 =	simm.s32 $0x108;
	_ =	swait.ge @!p0 [sflag:s8], $0x0  }
0x24: {  	s3 =	sadd.s32 $0x88, s3;
	s6 =	simm.s32 @!p1 $0x1082;
	[sflag:s4] =	ssyncset.s32 $0xFFFFF086  }
0x25: {  	[simem:s6], [sflag:s4] =	dma.local [hbm:s3], $0xF7A  }
0x26: {  	[smem:$0x3F99] =	sst s1;
	(tag) =	ssettag s2;
	_ =	strace s9  }
0x27: {  	s1 =	sld [smem:$0x3FA9]  }
0x28: {  	s2 =	sld [smem:$0x3FAA]  }
0x29: {  	s4 =	sld [smem:$0x3FAC]  }
0x2a: {  	p0 =	seq.s32 s5, $0x0;
	s5 =	sld [smem:$0x3FAD]  }
0x2b: {  	s6 =	sld [smem:$0x3FAE]  }
0x2c: {  	s7 =	sld [smem:$0x3FAF]  }
0x2d: {  	s3 =	simm.s32 $0x108;
	s8 =	sld [smem:$0x3FB0]  }
0x2e: {  	s3 =	simm.s32 @!p0 $0x1082;
	s9 =	sld [smem:$0x3FB1]  }
0x2f: {  	lr =	sadd.s32 s0, s3;
	s0 =	sld [smem:$0x3FA8]  }
0x30: {  	s3 =	sld [smem:$0x3FAB]  }
0x31: {  	[smem:$0x3FB4] =	sst s10  }
0x32: {  	s10 =	sld [smem:$0x3FB2];
	_ =	sdelay $0x3  }
0x33: {  	p0 =	seq.s32 s10, $0x1;
	s10 =	sld [smem:$0x3FB4];
	_ =	sdelay $0x3  }
0x34: {  	[smem:$0x3FB4] =	sst s10  }
0x35: {  	s10 =	sld [smem:$0x3FB3];
	_ =	sdelay $0x3  }
0x36: {  	p1 =	seq.s32 s10, $0x1;
	s10 =	sld [smem:$0x3FB4];
	_ =	sdelay $0x3  }
0x37: {  	[smem:$0x3FB4] =	sst s10  }
0x38: {  	s10 =	sld [smem:$0x3FB5]  }
0x39: {  	_ = 	snop;
	(pc) =	sbr.ind lr, $3  }
0x3a: {  	_ = 	snop  }
0x3b: {  	_ = 	snop  }
0x3c: {  	p2 =	seq.s32 s10, $0x1;
	s10 =	sld [smem:$0x3FB4]  }
0x3d: {  	_ =	shalt  }
0x3e: {  	_ =	shalt  }
0x3f: {  	_ =	shalt  }
0x40: {  	_ =	shalt  }
0x41: {  	_ =	shalt  }
0x42: {  	_ =	shalt  }
0x43: {  	_ =	shalt  }
0x44: {  	_ =	shalt  }
0x45: {  	_ =	shalt  }
0x46: {  	_ =	shalt  }
0x47: {  	_ =	shalt  }
0x48: {  	_ =	shalt  }
0x49: {  	_ =	shalt  }
0x4a: {  	_ =	shalt  }
0x4b: {  	_ =	shalt  }
0x4c: {  	_ =	shalt  }
0x4d: {  	_ =	shalt  }
0x4e: {  	_ =	shalt  }
0x4f: {  	_ =	shalt  }
0x50: {  	_ =	shalt  }
0x51: {  	_ =	shalt  }
0x52: {  	_ =	shalt  }
0x53: {  	_ =	shalt  }
0x54: {  	_ =	shalt  }
0x55: {  	_ =	shalt  }
0x56: {  	_ =	shalt  }
0x57: {  	_ =	shalt  }
0x58: {  	_ =	shalt  }
0x59: {  	_ =	shalt  }
0x5a: {  	_ =	shalt  }
0x5b: {  	_ =	shalt  }
0x5c: {  	_ =	shalt  }
0x5d: {  	_ =	shalt  }
0x5e: {  	_ =	shalt  }
0x5f: {  	_ =	shalt  }
0x60: {  	_ =	shalt  }
0x61: {  	_ =	shalt  }
0x62: {  	_ =	shalt  }
0x63: {  	_ =	shalt  }
0x64: {  	_ =	shalt  }
0x65: {  	_ =	shalt  }
0x66: {  	_ =	shalt  }
0x67: {  	_ =	shalt  }
0x68: {  	_ =	shalt  }
0x69: {  	_ =	shalt  }
0x6a: {  	_ =	shalt  }
0x6b: {  	_ =	shalt  }
0x6c: {  	_ =	shalt  }
0x6d: {  	_ =	shalt  }
0x6e: {  	_ =	shalt  }
0x6f: {  	_ =	shalt  }
0x70: {  	_ =	shalt  }
0x71: {  	_ =	shalt  }
0x72: {  	_ =	shalt  }
0x73: {  	_ =	shalt  }
0x74: {  	_ =	shalt  }
0x75: {  	_ =	shalt  }
0x76: {  	_ =	shalt  }
0x77: {  	_ =	shalt  }
0x78: {  	_ =	shalt  }
0x79: {  	_ =	shalt  }
0x7a: {  	_ =	shalt  }
0x7b: {  	_ =	shalt  }
0x7c: {  	_ =	shalt  }
0x7d: {  	_ =	shalt  }
0x7e: {  	_ =	shalt  }
0x7f: {  	_ =	shalt  }
0x80: {  	_ =	shalt  }
0x81: {  	_ =	shalt  }
0x82: {  	_ =	shalt  }
0x83: {  	_ =	shalt  }
0x84: {  	_ =	shalt  }
0x85: {  	_ =	shalt  }
0x86: {  	_ =	shalt  }
0x87: {  	_ =	shalt  }
.Lfunc_end0:
.L_simem_size_0:
called_computation_lowered:
.L_overlay_start_0:
0x88: {  	s2 =	sld [smem:$0x3FD9]  }
0x89: {  	s3 =	sld [smem:$0x3FFE];
	_ =	sdelay $0x1  }
0x8a: {  	s1 =	srdreg.scid  }
0x8b: {  	s0 =	sand.u32 $0x1, s1  }
0x8c: {  	s17 =	sshll.u32 s0, $0xA;
	s2 =	sadd.s32 s3, s2  }
0x8d: {  	s2 =	sadd.s32 s2, s17  }
0x8e: {  	[smem:$0x3FC0] =	sst s2  }
0x8f: {  	_ = 	snop  }
0x90: {  	s2 =	sld [smem:$0x3FC9]  }
0x91: {  	s18 =	sld [smem:$0x3FD0];
	(tm) =	ssettm $0x1  }
0x92: {  	s4 =	sld [smem:$0x3FFB];
	_ =	sdelay $0x3  }
0x93: {  	_ =	strace s4  }
0x94: {  	s4 =	sld [smem:$0x3FFC];
	_ =	sdelay $0x3  }
0x95: {  	_ =	strace s4  }
0x96: {  	s4 =	sld [smem:$0x3FFD];
	_ =	sdelay $0x3  }
0x97: {  	_ =	strace s4  }
0x98: {  	_ =	strace $0x8FFFFFFF  }
0x99: {  	s19 =	sld [smem:$0x3FDB];
	_ =	sdelay $0x1  }
0x9a: {  	s5 =	simm.s32 $_scs_section_size  }
0x9b: {  	s6 =	simm.s32 $_size__tile_overlayer_lowered;
	s7 =	simm.s32 $_tile_overlayer_lowered  }
0x9c: {  	s22 =	simm.s32 $0x1BFF;
	s21 =	sshll.u32 s7, $0x1;
	s4 =	sadd.s32 s5, s19  }
0x9d: {  	s8 =	simm.s32 $0x0;
	s20 =	sshll.u32 s6, $0x1;
	s6 =	sadd.s32 s21, s4  }
0x9e: {  	[timem:s8], [sflag:s22] =	dma.local [hbm:s6], s20  }
0x9f: {  	_ =	swait.ge [sflag:s22], s20  }
0xa0: {  	s5 =	ssub.s32 $0x0, s20;
	[sflag:s22] =	ssyncset.done $0x0  }
0xa1: {  	[sflag:s22] =	ssyncadd.s32 s5;
	_ =	sdelay $0x1  }
0xa2: {  	s23 =	simm.s32 $0x1B8B  }
0xa3: {  	_ =	swait.ge [sflag:s23], $0x1  }
0xa4: {  	[sflag:s23] =	ssyncset.done $0x0  }
0xa5: {  	s25 =	simm.s32 $0x1B8E;
	s24 =	sld [smem:$0x3FFE];
	[sflag:s23] =	ssyncadd.s32 $0xFFFFFFFF  }
0xa6: {  	s26 =	simm.s32 $execute0_lowered;
	[smem:$0x3FD2] =	sst s25  }
0xa7: {  	s6 =	sshll.u32 s26, $0x1;
	_ =	strace $0x80000046;
	[dreg:$0x1] =	wrdreg $0xFFFFFFFF  }
0xa8: {  	s28 =	simm.s32 $_size_execute0_lowered;
	s4 =	sadd.s32 s4, s6;
	[dreg:$0x0] =	wrdreg $0x0  }
0xa9: {  	s6 =	sshll.u32 s28, $0x1;
	[dreg:$0x2] =	wrdreg s4  }
0xaa: {  	[dreg:$0x3] =	wrdreg s6  }
0xab: {  	[dreg:$0x4] =	wrdreg $0xC0  }
0xac: {  	_ =	task [dreg:s8], $0x5FFFF  }
0xad: {  	[dreg:$0x1] =	wrdreg $0xFFFFFFFF  }
0xae: {  	[dreg:$0x0] =	wrdreg $0x60  }
0xaf: {  	[dreg:$0x2] =	wrdreg s2  }
0xb0: {  	[dreg:$0x3] =	wrdreg s18  }
0xb1: {  	[dreg:$0x4] =	wrdreg s24  }
0xb2: {  	[dreg:$0x5] =	wrdreg $0xC4000  }
0xb3: {  	[dreg:$0x6] =	wrdreg $0x9  }
0xb4: {  	_ =	task.clear_ibuf [dreg:s8], $0x7FFFF;
	_ =	strace $0x90000046  }
0xb5: {  	s29 =	simm.s32 $0x9;
	_ =	strace $0x80000048  }
0xb6: {  	_ =	swait.ge [sflag:s29], $0x1  }
0xb7: {  	[sflag:s29] =	ssyncadd.s32 $0xFFFFFFFF  }
0xb8: {  	_ =	strace $0x90000048  }
0xb9: {  	_ =	sfence  }
0xba: {  	s30 =	sld [smem:$0x0];
	_ =	sdelay $0x2  }
0xbb: {  	s31 =	sshll.u32 s1, $0xD;
	s1 =	sshrl.u32 s1, $0x2  }
0xbc: {  	s3 =	sand.u32 $0x4000, s31;
	s1 =	sadd.s32 s1, s30  }
0xbd: {  	s0 =	sor.u32 s3, s0;
	s1 =	sshll.u32 s1, $0x11  }
0xbe: {  	s0 =	sor.u32 s1, s0  }
0xbf: {  	s0 =	sadd.s32 $0x8F2B, s0  }
0xc0: {  	[sflag:s0] =	ssyncadd.remote.s32 $0x1  }
0xc1: {  	_ =	sfence.sel $0xFFFF  }
0xc2: {  	[dreg:$0x0] =	wrdreg $0xFFFFFFFF;
	(pc) =	sbr.abs _section_cstart, $3  }
0xc3: {  	[dreg:$0x1] =	wrdreg $0xFFFFFFFF  }
0xc4: {  	_ =	task.clear_ibuf [dreg:s8], $0x2FFFF;
	_ =	strace $0x9FFFFFFF  }
0xc5: {  	(tm) =	ssettm $0x7FFFFFFF  }
tec
execute0_lowered:
.L_overlay_start_1:
0x0: {  	(tag) =	ssettag $0x1  }
0x1: {  	s1 =	rddreg [dreg:$0x0]  }
0x2: {  	s2 =	rddreg [dreg:$0x1];
	s4 =	srdreg.scid;
	s5 =	simm.s32 $0x0  }
0x3: {  	[smem:$0x7FF] =	sst s5;
	s5 =	stileid.u32  }
0x4: {  	s0 =	rddreg [dreg:$0x2];
	s4 =	sand.u32 $0x1, s4;
	s16 =	smul.u32 $0x4F000, s5  }
0x5: {  	s3 =	rddreg [dreg:$0x3];
	s7 =	sadd.s32 $0x1A00, s0;
	s19 =	smul.u32 $0x138800, s4  }
0x6: {  	s0 =	sadd.s32 $0x4200, s0;
	s21 =	sadd.s32 $0x128400, s3;
	s20 =	smul.u32 $0x13C00, s5  }
0x7: {  	s6 =	sshll.u32 s4, $0x4;
	_ =	strace $0x80000047;
	s23 =	smul.u32 $0x4E00, s4  }
0x8: {  	[dreg:$0x5] =	wrdreg s7;
	s28 =	ssub.s32 $0x2, s4;
	s24 =	smul.u32 $0x4E0, s5  }
0x9: {  	s7 =	simm.s32 $0x4F;
	[dreg:$0xd] =	wrdreg s21;
	s4 =	smul.u32 $0x4E0, s4  }
0xa: {  	s26 =	smul.u32 $0x4E, s5;
	s6 =	sor.u32 s5, s6;
	s9 =	sshrl.u32 s28, $0x1  }
0xb: {  	s8 =	smul.u32 $0x4E, s6;
	s10 =	smin.u32 s6, $0x4;
	s9 =	ssub.s32 s28, s9  }
0xc: {  	p0 =	slt.u32 s6, $0x4;
	s25 =	sshrl.u32 s19, $0x3;
	s28 =	sadd.s32 s23, s2  }
0xd: {  	s7 =	simm.s32 @!p0 $0x4E;
	s4 =	sor.u32 s4, s10;
	s29 =	sadd.s32 s10, s8  }
0xe: {  	s12 =	sadd.s32 $0xFFFFFFFF, s7;
	s10 =	sshll.u32 s10, $0x4;
	s4 =	sadd.s32 s26, s4  }
0xf: {  	s8 =	sshll.u32 s29, $0x7;
	s6 =	sshll.u32 s29, $0x4;
	s14 =	smul.u32 $0x56, s12  }
0x10: {  	s6 =	sadd.s32 s2, s6;
	s30 =	sadd.s32 $0x4E400, s8;
	s11 =	sshrl.u32 s8, $0x3  }
0x11: {  	s13 =	sadd.s32 $0x4E480, s8;
	s8 =	sadd.s32 $0x4E500, s8;
	[dreg:$0x6] =	wrdreg s6  }
0x12: {  	s6 =	sshrl.u32 s30, $0x3;
	s11 =	sadd.s32 s2, s11;
	s30 =	smax.u32 s9, $0x1  }
0x13: {  	s15 =	sshrl.u32 s13, $0x3;
	s6 =	sadd.s32 s2, s6;
	[dreg:$0x11] =	wrdreg s30  }
0x14: {  	s17 =	sshrl.u32 s14, $0x8;
	s31 =	sadd.s32 $0x10, s11;
	[dreg:$0x7] =	wrdreg s6  }
0x15: {  	s8 =	sshrl.u32 s8, $0x3;
	s11 =	sadd.s32 $0x20, s11;
	[dreg:$0x8] =	wrdreg s31  }
0x16: {  	s18 =	smul.u32 $0x3, s17;
	s6 =	sadd.s32 s2, s15;
	[dreg:$0xa] =	wrdreg s11  }
0x17: {  	s8 =	sadd.s32 s2, s8;
	[dreg:$0x9] =	wrdreg s6;
	s6 =	sshrl.u32 s16, $0x2  }
0x18: {  	s4 =	sshll.u32 s4, $0x7;
	[dreg:$0xb] =	wrdreg s8;
	s6 =	sadd.s32 s6, s3  }
0x19: {  	s22 =	ssub.s32 s12, s18;
	[dreg:$0xc] =	wrdreg s6;
	s6 =	sadd.s32 s20, s19  }
0x1a: {  	s31 =	sadd.s32 $0x180, s4;
	s8 =	sor.u32 $0x4, s22;
	s6 =	sshrl.u32 s6, $0x3  }
0x1b: {  	[dreg:$0x13] =	wrdreg s31;
	s8 =	sand.u32 $0xFF, s8;
	s6 =	sadd.s32 s0, s6  }
0x1c: {  	s0 =	sadd.s32 s0, s25;
	[dreg:$0xf] =	wrdreg s6;
	s6 =	sadd.s32 s24, s28  }
0x1d: {  	[dreg:$0xe] =	wrdreg s8;
	s0 =	sadd.s32 $0x25080, s0;
	s29 =	sadd.s32 s10, s6  }
0x1e: {  	p0 =	seq.s32 s5, $0xF;
	[dreg:$0x10] =	wrdreg s0;
	s0 =	sadd.s32 $0x30, s29  }
0x1f: {  	s4 =	simm.s32 $0x0;
	s24 =	simm.s32 $0x80;
	[dreg:$0x12] =	wrdreg s0  }
.LBB2_1:
0x20: {  	s5 =	simm.s32 $0x0;
	s0 =	rddreg [dreg:$0x6];
	s6 =	simm.s32 $0xF  }
0x21: {  	[tilespmem:s5], [sflag:$0xF] =	stream.linear.gather [hbm4b:s0+s5], $0x80, $0x38;
	[tilespmem:$0x1FC80] =	vst v63  }
0x22: {  	_ =	swait.ge [sflag:s6], $0x80  }
0x23: {  	[sflag:s6] =	ssyncset.done $0x0  }
0x24: {  	s8 =	simm.s32 $0x200;
	s13 =	rddreg [dreg:$0x7];
	[sflag:s6] =	ssyncadd.s32 $0xFFFFFF80  }
0x25: {  	[tilespmem:s8], [sflag:$0xF] =	stream.linear.gather [hbm4b:s13+s5], $0x80, $0x38;
	[tilespmem:$0x1FC80] =	vst v63  }
0x26: {  	_ =	swait.ge [sflag:s6], $0x80  }
0x27: {  	s14 =	rddreg [dreg:$0x8]  }
0x28: {  	[sflag:s6] =	ssyncset.done $0x0;
	s15 =	rddreg [dreg:$0x9]  }
0x29: {  	s17 =	rddreg [dreg:$0xa];
	[sflag:s6] =	ssyncadd.s32 $0xFFFFFF80  }
0x2a: {  	[tilespmem:s24], [sflag:$0x8] =	stream.linear.gather [hbm4b:s14+s5], $0x80, $0x38;
	[tilespmem:$0x1FC80] =	vst v63  }
0x2b: {  	s16 =	simm.s32 $0x280;
	s19 =	rddreg [dreg:$0xb]  }
0x2c: {  	[tilespmem:s16], [sflag:$0xC] =	stream.linear.gather [hbm4b:s15+s5], $0x80, $0x38;
	[tilespmem:$0x1FC80] =	vst v63  }
0x2d: {  	s18 =	simm.s32 $0x100;
	s0 =	rddreg [dreg:$0xd]  }
0x2e: {  	[tilespmem:s18], [sflag:$0x9] =	stream.linear.gather [hbm4b:s17+s5], $0x80, $0x38;
	[tilespmem:$0x1FC80] =	vst v63  }
0x2f: {  	s20 =	simm.s32 $0x300;
	s0 =	sshrl.u32 @p0 s0, $0x3;
	s6 =	rddreg [dreg:$0x5]  }
0x30: {  	[tilespmem:s20], [sflag:$0xD] =	stream.linear.gather [hbm4b:s19+s5], $0x80, $0x38;
	[tilespmem:$0x1FC80] =	vst v63  }
0x31: {  	s21 =	simm.s32 $0x400;
	s8 =	simm.s32 @p0 $0x1FCF;
	[dreg:$0x14] =	wrdreg s0  }
0x32: {  	[tilespmem:s21], [sflag:$0x1] =	stream.indirect.gather [hbm4b:s1+s24], $0x80, s5, s24, $0xb8;
	[tilespmem:$0x1FC80] =	vst v63  }
0x33: {  	[spmem:s0], [sflag:s8] =	dma.local @p0 [hbm:s6], $0x2080  }
0x34: {  	s8 =	simm.s32 @p0 $0xF  }
0x35: {  	s0 =	stileid.u32;
	_ =	swait.ge @p0 [sflag:s8], $0x2080  }
0x36: {  	s28 =	simm.s32 @!p0 $0xF;
	s0 =	sshll.u32 @!p0 s0, $0x6;
	[sflag:s8] =	ssyncset.done @p0 $0x0  }
0x37: {  	[sflag:s8] =	ssyncadd.s32 @p0 $0xFFFFDF80;
	s8 =	sor.u32 @!p0 $0x1C0F, s0;
	s0 =	rddreg [dreg:$0xc]  }
0x38: {  	s22 =	simm.s32 $0x8;
	s0 =	sshrl.u32 @!p0 s0, $0x3;
	[dreg:$0x15] =	wrdreg s8  }
0x39: {  	s23 =	simm.s32 $0xC;
	s25 =	simm.s32 $0x4400;
	[dreg:$0x16] =	wrdreg s0  }
0x3a: {  	[spmem:s0], [sflag:s8] =	dma.local @!p0 [hbm:s6], $0x2780  }
0x3b: {  	s29 =	simm.s32 $0x2;
	p1 =	sne.s32 s7, $0x1;
	_ =	swait.ge @!p0 [sflag:s28], $0x2780  }
0x3c: {  	p2 =	por $0x1, $0x1;
	s31 =	simm.s32 $0x2;
	[sflag:s28] =	ssyncset.done @!p0 $0x0  }
0x3d: {  	p3 =	sle.u32 s7, $0x2;
	s26 =	smulhi.u32 $0xAAAAAAAB, s5;
	[sflag:s28] =	ssyncadd.s32 @!p0 $0xFFFFD880  }
0x3e: {  	s9 =	smulhi.u32 $0xAAAAAAAB, s29;
	s12 =	sand.u32 $0x600, s5;
	_ =	swait.ge [sflag:s22], $0x80  }
0x3f: {  	s12 =	sshrl.u32 s12, $0x2;
	s6 =	sshrl.u32 s26, $0x1;
	[sflag:s22] =	ssyncset.done $0x0  }
0x40: {  	s13 =	sshrl.u32 s9, $0x1;
	s10 =	smul.u32 $0xFFFFFFF4, s6;
	[sflag:s22] =	ssyncadd.s32 $0xFFFFFF80  }
0x41: {  	s12 =	sor.u32 $0x200, s12;
	s11 =	smul.u32 $0xFFFFFFF4, s13;
	_ =	swait.ge [sflag:s23], $0x80  }
0x42: {  	s9 =	simm.s32 $0x200;
	s10 =	sshra.s32 s10, $0x2;
	[sflag:s23] =	ssyncset.done $0x0  }
0x43: {  	s15 =	sshra.s32 s11, $0x2;
	s10 =	sadd.s32 $0x0, s10;
	[sflag:s23] =	ssyncadd.s32 $0xFFFFFF80  }
0x44: {  	[tilespmem:s25], [sflag:$0x2] =	stream.indirect.gather [hbm4b:s1+s24], $0x80, s24, s24, $0xb8;
	[tilespmem:$0x1FC80] =	vst v63  }
0x45: {  	s6 =	smul.u32 $0xFFFD0000, s6;
	s30 =	sadd.s32 $0x1, s10;
	[bflag:$0x0] =	sbarrier.arrive $0xFFFF  }
0x46: {  	s14 =	simm.s32 $0x3;
	s18 =	sadd.s32 $0x6, s15;
	_ =	swait.ge [sflag:s30], $0x4000  }
0x47: {  	s18 =	sadd.s32 @!p2 $0x0, s18;
	s6 =	sshra.s32 s6, $0x2;
	[sflag:s30] =	ssyncset.done $0x0  }
0x48: {  	s6 =	sadd.s32 $0x400, s6;
	s10 =	sadd.s32 $0x4, s10;
	[sflag:s30] =	ssyncadd.s32 $0xFFFFC000  }
0x49: {  	[spmem:s3] =	stream.indirect.scatter.add.f32 [tilespmem:s6], [sflag:s10], $0x80, s12, s24, $0xb8;
	[tilespmem:$0x1FC80] =	vst v63  }
0x4a: {  	s11 =	simm.s32 $0xC400;
	s15 =	sadd.s32 $0x3, s15;
	_ =	swait.ge @!p2 [sflag:s18], $0x4000  }
0x4b: {  	s15 =	sadd.s32 @!p3 $0x0, s15;
	s6 =	sand.u32 $0x3, s31;
	[sflag:s18] =	ssyncset.done @!p2 $0x0  }
0x4c: {  	s19 =	smul.u32 $0xFFFD0000, s13;
	[sflag:s18] =	ssyncadd.s32 @!p2 $0xFFFFC000;
	s18 =	sadd.s32 @!p3 $0x7, s6  }
0x4d: {  	s13 =	simm.s32 $0x3;
	s20 =	sand.u32 $0x3, s14;
	_ =	swait.ge @!p3 [sflag:s18], $0x80  }
0x4e: {  	s14 =	simm.s32 @!p3 $0x80;
	s19 =	sshra.s32 s19, $0x2;
	[sflag:s18] =	ssyncset.done @!p3 $0x0  }
0x4f: {  	s19 =	sadd.s32 $0x8400, s19;
	[sflag:s18] =	ssyncadd.s32 @!p3 $0xFFFFFF80;
	s18 =	sadd.s32 @!p3 $0xB, s6  }
0x50: {  	s8 =	simm.s32 $0x1;
	s10 =	simm.s32 $0x4;
	_ =	swait.ge @!p3 [sflag:s18], $0x80  }
0x51: {  	s12 =	simm.s32 $0x4400;
	p2 =	sle.u32 s7, $0x3;
	[sflag:s18] =	ssyncset.done @!p3 $0x0  }
0x52: {  	s6 =	sshll.u32 @!p3 s6, $0x7;
	s0 =	rddreg [dreg:$0x12];
	[sflag:s18] =	ssyncadd.s32 @!p3 $0xFFFFFF80  }
0x53: {  	[tilespmem:s19], [sflag:s15] =	stream.indirect.gather @!p3 [hbm4b:s1+s14], $0x80, s6, s14, $0xb8;
	[tilespmem:$0x1FC80] =	vst v63  }
.Ltmp0:
0x54: {  	s26 =	sshll.u32 @!p2 s20, $0x7;
	s5 =	rddreg [dreg:$0x13];
	(pc) =	sbr.rel @!p1 .LBB2_3-.Ltmp0, $4  }
0x55: {  	s18 =	sand.u32 @!p2 $0x7FFFFF80, s5;
	s6 =	simm.s32 @!p2 $0x0;
	s14 =	sadd.s32 @!p2 $0x7, s20  }
0x56: {  	s15 =	sadd.s32 $0x80, s5;
	s19 =	sadd.s32 @!p2 $0xB, s20;
	s18 =	sadd.s32 @!p2 $0x4E400, s18  }
0x57: {  	[tilespmem:s26], [sflag:s14] =	stream.linear.gather @!p2 [hbm4b:s0+s6], $0x80, $0x38;
	[tilespmem:$0x1FC80] =	vst v63  }
0x58: {  	s20 =	smov.u32 s0;
	s14 =	simm.s32 $0x4;
	s26 =	sor.u32 @!p2 $0x200, s26  }
.LBB2_2:
0x59: {  	s31 =	sshrl.u32 @!p2 s18, $0x3;
	s20 =	sadd.s32 $0x10, s20;
	s30 =	smov.u32 s8  }
0x5a: {  	s8 =	sadd.s32 $0x1, s8;
	s21 =	smov.u32 s9;
	s18 =	smov.u32 s10  }
0x5b: {  	p1 =	sne.s32 s8, s7;
	s17 =	sadd.s32 @!p2 s2, s31;
	s31 =	smov.u32 s11  }
0x5c: {  	[tilespmem:s26], [sflag:s19] =	stream.linear.gather @!p2 [hbm4b:s17+s6], $0x80, $0x38;
	[tilespmem:$0x1FC80] =	vst v63  }
0x5d: {  	s17 =	smov.u32 s12;
	s6 =	smov.u32 s14;
	s19 =	smov.u32 s15  }
0x5e: {  	s9 =	sadd.s32 $0x200, s9;
	s10 =	sadd.s32 $0x4, s10;
	s26 =	smulhi.u32 $0xAAAAAAAB, s30  }
0x5f: {  	s16 =	smulhi.u32 $0xAAAAAAAB, s13;
	s11 =	sadd.s32 $0x4000, s11;
	s12 =	sadd.s32 $0x4000, s12  }
0x60: {  	s13 =	sadd.s32 $0x1, s13;
	s23 =	sadd.s32 $0xFFFFFFFF, s14;
	s26 =	sshrl.u32 s26, $0x1  }
0x61: {  	s21 =	sand.u32 $0x600, s21;
	s0 =	sshra.s32 s18, $0x2;
	s22 =	smul.u32 $0xFFFFFFF4, s26  }
0x62: {  	s16 =	sshrl.u32 s16, $0x1;
	p2 =	seq.s32 s18, $0x0;
	s26 =	smul.u32 $0xFFFD0000, s26  }
0x63: {  	s21 =	sshrl.u32 s21, $0x2;
	s29 =	smul.u32 $0xFFFFFFF4, s16;
	s22 =	sshra.s32 s22, $0x2  }
0x64: {  	s0 =	sadd.s32 s0, s22;
	s22 =	sshra.s32 s26, $0x2;
	s26 =	sshra.s32 @!p2 s18, $0x2  }
0x65: {  	s14 =	sadd.s32 $0x1, s14;
	s29 =	sshra.s32 s29, $0x2;
	s5 =	sadd.s32 $0x1, s0  }
0x66: {  	s21 =	sor.u32 $0x200, s21;
	s25 =	sadd.s32 $0x6, s29;
	_ =	swait.ge [sflag:s5], $0x4000  }
0x67: {  	s29 =	sadd.s32 $0x3, s29;
	s25 =	sadd.s32 @!p2 s26, s25;
	[sflag:s5] =	ssyncset.done $0x0  }
0x68: {  	s17 =	sadd.s32 s22, s17;
	s0 =	sadd.s32 $0x4, s0;
	[sflag:s5] =	ssyncadd.s32 $0xFFFFC000  }
0x69: {  	[spmem:s3] =	stream.indirect.scatter.add.f32 [tilespmem:s17], [sflag:s0], $0x80, s21, s24, $0xb8;
	[tilespmem:$0x1FC80] =	vst v63  }
0x6a: {  	s5 =	sadd.s32 $0x2, s30;
	s0 =	smul.u32 $0xFFFD0000, s16;
	_ =	swait.ge @!p2 [sflag:s25], $0x4000  }
0x6b: {  	s16 =	sand.u32 $0x3, s23;
	p3 =	sge.u32 s5, s7;
	[sflag:s25] =	ssyncset.done @!p2 $0x0  }
0x6c: {  	s5 =	sadd.s32 @!p3 $0x7, s16;
	s0 =	sshra.s32 s0, $0x2;
	[sflag:s25] =	ssyncadd.s32 @!p2 $0xFFFFC000  }
0x6d: {  	s15 =	sadd.s32 $0x80, s15;
	s17 =	sshll.u32 @!p3 s16, $0x7;
	_ =	swait.ge @!p3 [sflag:s5], $0x80  }
0x6e: {  	s21 =	sand.u32 $0x3, s6;
	s6 =	sadd.s32 $0x3, s30;
	[sflag:s5] =	ssyncset.done @!p3 $0x0  }
0x6f: {  	[sflag:s5] =	ssyncadd.s32 @!p3 $0xFFFFFF80;
	s5 =	sadd.s32 @!p3 $0xB, s16;
	s16 =	simm.s32 @!p3 $0x80  }
0x70: {  	s0 =	sadd.s32 s0, s31;
	p2 =	sge.u32 s6, s7;
	_ =	swait.ge @!p3 [sflag:s5], $0x80  }
0x71: {  	s18 =	sshra.s32 @!p3 s18, $0x2;
	s6 =	simm.s32 @!p2 $0x0;
	[sflag:s5] =	ssyncset.done @!p3 $0x0  }
.Ltmp1:
0x72: {  	[sflag:s5] =	ssyncadd.s32 @!p3 $0xFFFFFF80;
	s5 =	sadd.s32 @!p3 s18, s29;
	(pc) =	sbr.rel @p1 .LBB2_2-.Ltmp1, $4  }
0x73: {  	[tilespmem:s0], [sflag:s5] =	stream.indirect.gather @!p3 [hbm4b:s1+s16], $0x80, s17, s16, $0xb8;
	[tilespmem:$0x1FC80] =	vst v63  }
0x74: {  	s0 =	sshll.u32 @!p2 s21, $0x7;
	s5 =	sand.u32 @!p2 $0x7FFFFF80, s19;
	s19 =	sadd.s32 @!p2 $0xB, s21  }
0x75: {  	s16 =	sadd.s32 @!p2 $0x7, s21;
	s18 =	sadd.s32 @!p2 $0x4E400, s5;
	s26 =	sor.u32 @!p2 $0x200, s0  }
0x76: {  	[tilespmem:s0], [sflag:s16] =	stream.linear.gather @!p2 [hbm4b:s20+s6], $0x80, $0x38;
	[tilespmem:$0x1FC80] =	vst v63  }
.LBB2_3:
0x77: {  	s0 =	sshrl.u32 @!p2 s18, $0x3  }
0x78: {  	s30 =	rddreg [dreg:$0xe];
	s0 =	sadd.s32 @!p2 s2, s0  }
0x79: {  	[tilespmem:s26], [sflag:s19] =	stream.linear.gather @!p2 [hbm4b:s0+s6], $0x80, $0x38;
	[tilespmem:$0x1FC80] =	vst v63  }
0x7a: {  	_ =	swait.ge [sflag:s30], $0x4000  }
0x7b: {  	[sflag:s30] =	ssyncset.done $0x0  }
0x7c: {  	[sflag:s30] =	ssyncadd.s32 $0xFFFFC000  }
0x7d: {  	[bflag:$0x0] =	sbarrier.arrive $0xFFFF  }
0x7e: {  	s0 =	rddreg [dreg:$0x10]  }
0x7f: {  	s6 =	simm.s32 @p0 $0x1FCF;
	s5 =	rddreg [dreg:$0x14]  }
0x80: {  	[hbm:s0], [sflag:s6] =	dma.local @p0 [spmem:s5], $0x2080  }
0x81: {  	s0 =	simm.s32 @p0 $0xF  }
0x82: {  	_ =	swait.ge @p0 [sflag:s0], $0x2080  }
0x83: {  	s5 =	rddreg [dreg:$0x15]  }
0x84: {  	[sflag:s0] =	ssyncset.done @p0 $0x0;
	s6 =	rddreg [dreg:$0x16]  }
0x85: {  	[sflag:s0] =	ssyncadd.s32 @p0 $0xFFFFDF80;
	s0 =	rddreg [dreg:$0xf]  }
0x86: {  	[hbm:s0], [sflag:s5] =	dma.local @!p0 [spmem:s6], $0x2780  }
0x87: {  	_ =	swait.ge @!p0 [sflag:s28], $0x2780  }
0x88: {  	s4 =	sadd.s32 $0x1, s4;
	s31 =	rddreg [dreg:$0x11]  }
0x89: {  	p1 =	sne.s32 s4, s31  }
.Ltmp2:
0x8a: {  	_ = 	snop;
	(pc) =	sbr.rel @p1 .LBB2_1-.Ltmp2, $3  }
0x8b: {  	_ =	sdelay $0x1  }
0x8c: {  	[sflag:s28] =	ssyncset.done @!p0 $0x0  }
0x8d: {  	[sflag:s28] =	ssyncadd.s32 @!p0 $0xFFFFD880  }
0x8e: {  	_ =	sfence.sel $0x180000  }
0x8f: {  	[bflag:$0x0] =	sbarrier.arrive $0xFFFF  }
0x90: {  	_ =	strace $0x90000047  }
0x91: {  	s0 =	stileid.u32;
	[bflag:$0x2] =	sbarrier.arrive $0xFFFF  }
0x92: {  	p0 =	sne.s32 s0, $0x0;
	s0 =	rddreg [dreg:$0x4]  }
0x93: {  	s0 =	sadd.s32 @!p0 $0x100000, s0  }
0x94: {  	[sflag:s0] =	ssyncadd.tile.s32 @!p0 $0x1;
	_ =	shalt  }
.Lfunc_end2:
_tile_overlayer_lowered:
.L_overlay_start_2:
0x95: {  	(tag) =	ssettag $0x2  }
0x96: {  	s0 =	rddreg [dreg:$0x0];
	s2 =	stileid.u32  }
0x97: {  	s1 =	rddreg [dreg:$0x1];
	p0 =	sne.s32 s2, $0x0  }
0x98: {  	s3 =	rddreg [dreg:$0x2];
	[bflag:$0x3] =	sbarrier.arrive $0xFFFF;
	s2 =	simm.s32 @!p0 $0x1C0F  }
0x99: {  	[timem:s3], [sflag:s2] =	dma.local @!p0 [hbm:s0], s1  }
0x9a: {  	s0 =	simm.s32 @!p0 $0xF  }
0x9b: {  	_ =	swait.ge @!p0 [sflag:s0], s1  }
0x9c: {  	s1 =	ssub.s32 @!p0 $0x0, s1;
	[sflag:s0] =	ssyncset.done @!p0 $0x0  }
0x9d: {  	[sflag:s0] =	ssyncadd.s32 @!p0 s1  }
0x9e: {  	[bflag:$0x3] =	sbarrier.arrive $0xFFFF  }
0x9f: {  	_ =	shalt  }

</sc_bundles>
